<compile_context>
chip_gen: v7x
topology: tpu7x:2x2x1
jax: 0.10.2.dev20260603
libtpu: 0.0.44.dev20260713+nightly
codegen_flags: <defaults>
</compile_context>

<pallas_src>
import functools

import jax
import jax.numpy as jnp
from jax import lax
from jax.experimental import pallas as pl
from jax.experimental.pallas import tpu as pltpu
from jax.experimental.pallas import tpu_sc as plsc

ROWS, COLS = 16384, 1024
N_STRIPES = 128
L = 16
N_GRP = N_STRIPES // L
NC, NS = 2, 16
NW = NC * NS
ROWS_PER_W = ROWS // NW
BLK = 16
N_BLK = ROWS_PER_W // BLK
NBUF = 4
PREF = 2
N_COMPACT = N_STRIPES + L


def _make_kernel():
    mesh = plsc.VectorSubcoreMesh(core_axis_name="c", subcore_axis_name="s")

    @functools.partial(
        pl.kernel,
        mesh=mesh,
        compiler_params=pltpu.CompilerParams(needs_layout_passes=False),
        out_type=jax.ShapeDtypeStruct((ROWS, COLS), jnp.float32),
        scratch_types=[
            pltpu.VMEM((N_STRIPES,), jnp.int32),
            pltpu.VMEM((N_STRIPES,), jnp.int32),
            pltpu.VMEM((N_STRIPES,), jnp.int32),
            pltpu.VMEM((N_COMPACT,), jnp.int32),
            pltpu.VMEM((N_COMPACT,), jnp.int32),
            pltpu.VMEM((N_COMPACT,), jnp.int32),
            [pltpu.VMEM((BLK, COLS), jnp.float32) for _ in range(NBUF)],
            pltpu.SemaphoreType.DMA,
            [pltpu.SemaphoreType.DMA for _ in range(NBUF)],
            [pltpu.SemaphoreType.DMA for _ in range(NBUF)],
        ],
    )
    def body(inp_hbm, feat_hbm, pos_hbm, lens_hbm, out_hbm,
             fvm, pvm, lvm, cfvm, cpvm, cevm, bufs, psem, isems, osems):
        wid = lax.axis_index("s") * NC + lax.axis_index("c")
        base = wid * ROWS_PER_W

        pf = pltpu.async_copy(feat_hbm, fvm, psem)
        pp = pltpu.async_copy(pos_hbm, pvm, psem)
        for k in range(PREF):
            pltpu.async_copy(
                inp_hbm.at[pl.ds(base + k * BLK, BLK)], bufs[k], isems[k]
            )
        pltpu.async_copy(lens_hbm, lvm, psem)
        pf.wait()
        pp.wait()
        pltpu.make_async_copy(lens_hbm, lvm, psem).wait()

        zeros = jnp.zeros((L,), jnp.float32)
        zeros_i = jnp.zeros((L,), jnp.int32)

        for i in range(N_COMPACT // L):
            cfvm[pl.ds(i * L, L)] = zeros_i
            cpvm[pl.ds(i * L, L)] = zeros_i
            cevm[pl.ds(i * L, L)] = zeros_i
        cnt = jnp.int32(0)
        for g in range(N_GRP):
            f = fvm[pl.ds(g * L, L)]
            p = pvm[pl.ds(g * L, L)]
            ln = lvm[pl.ds(g * L, L)]
            e = p + ln
            m = (p < base + ROWS_PER_W) & (e > base) & (ln > 0)
            dst = cnt + plsc.cumsum(jnp.where(m, 1, 0), mask=m) - 1
            plsc.store_scatter(cfvm, [dst], f, mask=m)
            plsc.store_scatter(cpvm, [dst], p, mask=m)
            plsc.store_scatter(cevm, [dst], e, mask=m)
            cnt = cnt + plsc.all_reduce_population_count(m)[0]
        n_cgrp = (cnt + (L - 1)) // L

        def process(buf, r0):
            def grp_body(gi, _):
                f = cfvm[pl.ds(gi * L, L)]
                p = cpvm[pl.ds(gi * L, L)]
                e = cevm[pl.ds(gi * L, L)]
                hit = (p < r0 + BLK) & (e > r0)
                n_hit = plsc.all_reduce_population_count(hit)

                @pl.when(n_hit[0] > 0)
                def _():
                    def row_body(j, _):
                        r = r0 + j
                        m = (r >= p) & (r < e)
                        plsc.store_scatter(
                            buf, [jnp.full((L,), j, jnp.int32), f], zeros,
                            mask=m,
                        )
                        return 0

                    lax.fori_loop(0, BLK, row_body, 0)

                return 0

            lax.fori_loop(0, n_cgrp, grp_body, 0)

        def ring_body(rr, _):
            for k in range(NBUF):
                b = NBUF * rr + k
                r0 = base + b * BLK
                k_pref = (k + PREF) % NBUF
                b_out = b - (NBUF - PREF)

                def retire_and_prefetch():
                    @pl.when(b_out >= 0)
                    def _():
                        pltpu.make_async_copy(
                            bufs[k_pref],
                            out_hbm.at[pl.ds(r0 - (NBUF - PREF) * BLK, BLK)],
                            osems[k_pref],
                        ).wait()

                    pltpu.async_copy(
                        inp_hbm.at[pl.ds(r0 + PREF * BLK, BLK)],
                        bufs[k_pref],
                        isems[k_pref],
                    )

                pl.when(b + PREF < N_BLK)(retire_and_prefetch)

                pltpu.make_async_copy(
                    inp_hbm.at[pl.ds(r0, BLK)], bufs[k], isems[k]
                ).wait()
                process(bufs[k], r0)
                pltpu.async_copy(
                    bufs[k], out_hbm.at[pl.ds(r0, BLK)], osems[k]
                )
            return 0

        lax.fori_loop(0, N_BLK // NBUF, ring_body, 0)

        for b in range(N_BLK - NBUF, N_BLK):
            k = b % NBUF
            r0 = base + b * BLK
            pltpu.make_async_copy(
                bufs[k], out_hbm.at[pl.ds(r0, BLK)], osems[k]
            ).wait()

    return body


_sc_kernel = _make_kernel()


def kernel(inp, features, pos, lens):
    return _sc_kernel(inp, features, pos, lens)

# --- scband reference (transcript-rebuilt; emitter-appended) ---
"""Pipeline reference for scband-replacer-75033078661769 (READ-ONLY COPY).

The authoritative reference and input builder live on the scoring server;
editing this copy changes nothing except your own understanding.
"""

import jax, jax.numpy as jnp
import numpy as np

ROWS, COLS = 16384, 1024
SIZE = (256, 128)
REPLACE_VAL = 0.0


def setup_inputs(seed: int = 0) -> dict:
    key = jax.random.key(seed)
    k1, k2, k3, k4 = jax.random.split(key, 4)
    inp = jax.random.normal(k1, (ROWS, COLS), dtype=jnp.float32)
    # Deterministic materialization of the module's internal randomness
    # (torch.randint calls inside forward):
    features = jax.random.randint(k2, (SIZE[1],), 0, COLS, dtype=jnp.int32)
    pos = jax.random.randint(k3, (SIZE[1],), 0, ROWS - SIZE[0], dtype=jnp.int32)
    lens = jax.random.randint(k4, (SIZE[1],), 0, SIZE[0], dtype=jnp.int32)
    return {"inp": inp, "features": features, "pos": pos, "lens": lens}


def reference(inp, features, pos, lens):
    # probability = 1.0 -> augmentation is always applied.
    # For each stripe i: inp[pos[i]:pos[i]+lens[i], features[i]] = REPLACE_VAL.
    # All stripes write the same constant value, so sequential overwrite
    # is equivalent to a union-of-masks overwrite (order-independent).
    rows, cols = inp.shape
    r = jnp.arange(rows)[:, None]  # [rows, 1]
    # [rows, n_stripes] boolean: rows covered by each stripe
    row_mask = (r >= pos[None, :]) & (r < (pos + lens)[None, :])
    # Scatter-add stripe masks into the full [rows, cols] grid by column index
    hit = jnp.zeros((rows, cols), dtype=jnp.float32).at[:, features].add(
        row_mask.astype(jnp.float32)
    )
    mask = hit > 0
    return jnp.where(mask, jnp.float32(REPLACE_VAL), inp)

if __name__ == "__main__":
    import jax
    _d = setup_inputs()
    print(jax.jit(kernel)(*tuple(_d.values())))

</pallas_src>

<mosaic_0001>
#map = affine_map<(d0, d1) -> (0, 0)>
#map1 = affine_map<(d0, d1) -> (0)>
module attributes {stable_mosaic.version = 14 : i64} {
  func.func @body(%arg0: i32, %arg1: i32, %arg2: memref<16384x1024xf32, #tpu.memory_space<hbm>>, %arg3: memref<128xi32, #tpu.memory_space<hbm>>, %arg4: memref<128xi32, #tpu.memory_space<hbm>>, %arg5: memref<128xi32, #tpu.memory_space<hbm>>, %arg6: memref<16384x1024xf32, #tpu.memory_space<hbm>>, %arg7: memref<128xi32, #tpu.memory_space<vmem>>, %arg8: memref<128xi32, #tpu.memory_space<vmem>>, %arg9: memref<128xi32, #tpu.memory_space<vmem>>, %arg10: memref<144xi32, #tpu.memory_space<vmem>>, %arg11: memref<144xi32, #tpu.memory_space<vmem>>, %arg12: memref<144xi32, #tpu.memory_space<vmem>>, %arg13: memref<16x1024xf32, #tpu.memory_space<vmem>>, %arg14: memref<16x1024xf32, #tpu.memory_space<vmem>>, %arg15: memref<16x1024xf32, #tpu.memory_space<vmem>>, %arg16: memref<16x1024xf32, #tpu.memory_space<vmem>>, %arg17: memref<!tpu.dma_semaphore, #tpu.memory_space<semaphore_mem>>, %arg18: memref<!tpu.dma_semaphore, #tpu.memory_space<semaphore_mem>>, %arg19: memref<!tpu.dma_semaphore, #tpu.memory_space<semaphore_mem>>, %arg20: memref<!tpu.dma_semaphore, #tpu.memory_space<semaphore_mem>>, %arg21: memref<!tpu.dma_semaphore, #tpu.memory_space<semaphore_mem>>, %arg22: memref<!tpu.dma_semaphore, #tpu.memory_space<semaphore_mem>>, %arg23: memref<!tpu.dma_semaphore, #tpu.memory_space<semaphore_mem>>, %arg24: memref<!tpu.dma_semaphore, #tpu.memory_space<semaphore_mem>>, %arg25: memref<!tpu.dma_semaphore, #tpu.memory_space<semaphore_mem>>) attributes {dimension_semantics = [#tpu.dimension_semantics<core_parallel>, #tpu.dimension_semantics<subcore_parallel>], iteration_bounds = array<i64: 2, 16>, scalar_prefetch = 0 : i64, scratch_operands = 19 : i64, tpu.core_type = #tpu.core_type<sc_vector_subcore>, window_params = [{transform_indices = #map}, {transform_indices = #map1}, {transform_indices = #map1}, {transform_indices = #map1}, {transform_indices = #map}]} {
    %mul3A = arith.constant 2 : i32
    %mul3A_0 = arith.muli %arg1, %mul3A : i32
    %add3A = arith.addi %mul3A_0, %arg0 : i32
    %mul3A_1 = arith.constant 512 : i32
    %mul3A_2 = arith.muli %add3A, %mul3A_1 : i32
    tpu.enqueue_dma source(%arg3 : memref<128xi32, #tpu.memory_space<hbm>>) target(%arg7 : memref<128xi32, #tpu.memory_space<vmem>>) target_semaphore(%arg17 : memref<!tpu.dma_semaphore, #tpu.memory_space<semaphore_mem>>)
    tpu.enqueue_dma source(%arg4 : memref<128xi32, #tpu.memory_space<hbm>>) target(%arg8 : memref<128xi32, #tpu.memory_space<vmem>>) target_semaphore(%arg17 : memref<!tpu.dma_semaphore, #tpu.memory_space<semaphore_mem>>)
    %add3A_3 = arith.constant 0 : i32
    %add3A_4 = arith.addi %mul3A_2, %add3A_3 : i32
    %dma_start3A = arith.constant 0 : i32
    %dma_start3A_5 = tpu.memref_slice %arg2[%add3A_4, %dma_start3A] : memref<16384x1024xf32, #tpu.memory_space<hbm>> -> memref<16x1024xf32, #tpu.memory_space<hbm>>
    %dma_start3A_6 = arith.constant 0 : i32
    %dma_start3A_7 = tpu.memref_slice %arg2[%add3A_4, %dma_start3A_6] : memref<16384x1024xf32, #tpu.memory_space<hbm>> -> memref<16x1024xf32, #tpu.memory_space<hbm>>
    tpu.enqueue_dma source(%dma_start3A_7 : memref<16x1024xf32, #tpu.memory_space<hbm>>) target(%arg13 : memref<16x1024xf32, #tpu.memory_space<vmem>>) target_semaphore(%arg18 : memref<!tpu.dma_semaphore, #tpu.memory_space<semaphore_mem>>)
    %add3A_8 = arith.constant 16 : i32
    %add3A_9 = arith.addi %mul3A_2, %add3A_8 : i32
    %dma_start3A_10 = arith.constant 0 : i32
    %dma_start3A_11 = tpu.memref_slice %arg2[%add3A_9, %dma_start3A_10] : memref<16384x1024xf32, #tpu.memory_space<hbm>> -> memref<16x1024xf32, #tpu.memory_space<hbm>>
    %dma_start3A_12 = arith.constant 0 : i32
    %dma_start3A_13 = tpu.memref_slice %arg2[%add3A_9, %dma_start3A_12] : memref<16384x1024xf32, #tpu.memory_space<hbm>> -> memref<16x1024xf32, #tpu.memory_space<hbm>>
    tpu.enqueue_dma source(%dma_start3A_13 : memref<16x1024xf32, #tpu.memory_space<hbm>>) target(%arg14 : memref<16x1024xf32, #tpu.memory_space<vmem>>) target_semaphore(%arg19 : memref<!tpu.dma_semaphore, #tpu.memory_space<semaphore_mem>>)
    tpu.enqueue_dma source(%arg5 : memref<128xi32, #tpu.memory_space<hbm>>) target(%arg9 : memref<128xi32, #tpu.memory_space<vmem>>) target_semaphore(%arg17 : memref<!tpu.dma_semaphore, #tpu.memory_space<semaphore_mem>>)
    tpu.wait_dma2 semaphore(%arg17 : memref<!tpu.dma_semaphore, #tpu.memory_space<semaphore_mem>>) src(%arg3 : memref<128xi32, #tpu.memory_space<hbm>>) dst(%arg7 : memref<128xi32, #tpu.memory_space<vmem>>)
    tpu.wait_dma2 semaphore(%arg17 : memref<!tpu.dma_semaphore, #tpu.memory_space<semaphore_mem>>) src(%arg4 : memref<128xi32, #tpu.memory_space<hbm>>) dst(%arg8 : memref<128xi32, #tpu.memory_space<vmem>>)
    tpu.wait_dma2 semaphore(%arg17 : memref<!tpu.dma_semaphore, #tpu.memory_space<semaphore_mem>>) src(%arg5 : memref<128xi32, #tpu.memory_space<hbm>>) dst(%arg9 : memref<128xi32, #tpu.memory_space<vmem>>)
    %broadcast_in_dim3A = arith.constant 0.000000e+00 : f32
    %broadcast_in_dim3A_14 = vector.broadcast %broadcast_in_dim3A : f32 to vector<16xf32>
    %broadcast_in_dim3A_15 = arith.constant 0 : i32
    %broadcast_in_dim3A_16 = vector.broadcast %broadcast_in_dim3A_15 : i32 to vector<16xi32>
    %swap3A = arith.constant 0 : index
    %swap3A_17 = tpu.vector_load %arg10[%swap3A] {strides = array<i32>} : memref<144xi32, #tpu.memory_space<vmem>>, vector<16xi32>,
    tpu.vector_store %arg10[%swap3A], %broadcast_in_dim3A_16 {strides = array<i32>} : memref<144xi32, #tpu.memory_space<vmem>>, vector<16xi32>,
    %swap3A_18 = arith.constant 0 : index
    %swap3A_19 = tpu.vector_load %arg11[%swap3A_18] {strides = array<i32>} : memref<144xi32, #tpu.memory_space<vmem>>, vector<16xi32>,
    tpu.vector_store %arg11[%swap3A_18], %broadcast_in_dim3A_16 {strides = array<i32>} : memref<144xi32, #tpu.memory_space<vmem>>, vector<16xi32>,
    %swap3A_20 = arith.constant 0 : index
    %swap3A_21 = tpu.vector_load %arg12[%swap3A_20] {strides = array<i32>} : memref<144xi32, #tpu.memory_space<vmem>>, vector<16xi32>,
    tpu.vector_store %arg12[%swap3A_20], %broadcast_in_dim3A_16 {strides = array<i32>} : memref<144xi32, #tpu.memory_space<vmem>>, vector<16xi32>,
    %swap3A_22 = arith.constant 16 : index
    %swap3A_23 = tpu.vector_load %arg10[%swap3A_22] {strides = array<i32>} : memref<144xi32, #tpu.memory_space<vmem>>, vector<16xi32>,
    tpu.vector_store %arg10[%swap3A_22], %broadcast_in_dim3A_16 {strides = array<i32>} : memref<144xi32, #tpu.memory_space<vmem>>, vector<16xi32>,
    %swap3A_24 = arith.constant 16 : index
    %swap3A_25 = tpu.vector_load %arg11[%swap3A_24] {strides = array<i32>} : memref<144xi32, #tpu.memory_space<vmem>>, vector<16xi32>,
    tpu.vector_store %arg11[%swap3A_24], %broadcast_in_dim3A_16 {strides = array<i32>} : memref<144xi32, #tpu.memory_space<vmem>>, vector<16xi32>,
    %swap3A_26 = arith.constant 16 : index
    %swap3A_27 = tpu.vector_load %arg12[%swap3A_26] {strides = array<i32>} : memref<144xi32, #tpu.memory_space<vmem>>, vector<16xi32>,
    tpu.vector_store %arg12[%swap3A_26], %broadcast_in_dim3A_16 {strides = array<i32>} : memref<144xi32, #tpu.memory_space<vmem>>, vector<16xi32>,
    %swap3A_28 = arith.constant 32 : index
    %swap3A_29 = tpu.vector_load %arg10[%swap3A_28] {strides = array<i32>} : memref<144xi32, #tpu.memory_space<vmem>>, vector<16xi32>,
    tpu.vector_store %arg10[%swap3A_28], %broadcast_in_dim3A_16 {strides = array<i32>} : memref<144xi32, #tpu.memory_space<vmem>>, vector<16xi32>,
    %swap3A_30 = arith.constant 32 : index
    %swap3A_31 = tpu.vector_load %arg11[%swap3A_30] {strides = array<i32>} : memref<144xi32, #tpu.memory_space<vmem>>, vector<16xi32>,
    tpu.vector_store %arg11[%swap3A_30], %broadcast_in_dim3A_16 {strides = array<i32>} : memref<144xi32, #tpu.memory_space<vmem>>, vector<16xi32>,
    %swap3A_32 = arith.constant 32 : index
    %swap3A_33 = tpu.vector_load %arg12[%swap3A_32] {strides = array<i32>} : memref<144xi32, #tpu.memory_space<vmem>>, vector<16xi32>,
    tpu.vector_store %arg12[%swap3A_32], %broadcast_in_dim3A_16 {strides = array<i32>} : memref<144xi32, #tpu.memory_space<vmem>>, vector<16xi32>,
    %swap3A_34 = arith.constant 48 : index
    %swap3A_35 = tpu.vector_load %arg10[%swap3A_34] {strides = array<i32>} : memref<144xi32, #tpu.memory_space<vmem>>, vector<16xi32>,
    tpu.vector_store %arg10[%swap3A_34], %broadcast_in_dim3A_16 {strides = array<i32>} : memref<144xi32, #tpu.memory_space<vmem>>, vector<16xi32>,
    %swap3A_36 = arith.constant 48 : index
    %swap3A_37 = tpu.vector_load %arg11[%swap3A_36] {strides = array<i32>} : memref<144xi32, #tpu.memory_space<vmem>>, vector<16xi32>,
    tpu.vector_store %arg11[%swap3A_36], %broadcast_in_dim3A_16 {strides = array<i32>} : memref<144xi32, #tpu.memory_space<vmem>>, vector<16xi32>,
    %swap3A_38 = arith.constant 48 : index
    %swap3A_39 = tpu.vector_load %arg12[%swap3A_38] {strides = array<i32>} : memref<144xi32, #tpu.memory_space<vmem>>, vector<16xi32>,
    tpu.vector_store %arg12[%swap3A_38], %broadcast_in_dim3A_16 {strides = array<i32>} : memref<144xi32, #tpu.memory_space<vmem>>, vector<16xi32>,
    %swap3A_40 = arith.constant 64 : index
    %swap3A_41 = tpu.vector_load %arg10[%swap3A_40] {strides = array<i32>} : memref<144xi32, #tpu.memory_space<vmem>>, vector<16xi32>,
    tpu.vector_store %arg10[%swap3A_40], %broadcast_in_dim3A_16 {strides = array<i32>} : memref<144xi32, #tpu.memory_space<vmem>>, vector<16xi32>,
    %swap3A_42 = arith.constant 64 : index
    %swap3A_43 = tpu.vector_load %arg11[%swap3A_42] {strides = array<i32>} : memref<144xi32, #tpu.memory_space<vmem>>, vector<16xi32>,
    tpu.vector_store %arg11[%swap3A_42], %broadcast_in_dim3A_16 {strides = array<i32>} : memref<144xi32, #tpu.memory_space<vmem>>, vector<16xi32>,
    %swap3A_44 = arith.constant 64 : index
    %swap3A_45 = tpu.vector_load %arg12[%swap3A_44] {strides = array<i32>} : memref<144xi32, #tpu.memory_space<vmem>>, vector<16xi32>,
    tpu.vector_store %arg12[%swap3A_44], %broadcast_in_dim3A_16 {strides = array<i32>} : memref<144xi32, #tpu.memory_space<vmem>>, vector<16xi32>,
    %swap3A_46 = arith.constant 80 : index
    %swap3A_47 = tpu.vector_load %arg10[%swap3A_46] {strides = array<i32>} : memref<144xi32, #tpu.memory_space<vmem>>, vector<16xi32>,
    tpu.vector_store %arg10[%swap3A_46], %broadcast_in_dim3A_16 {strides = array<i32>} : memref<144xi32, #tpu.memory_space<vmem>>, vector<16xi32>,
    %swap3A_48 = arith.constant 80 : index
    %swap3A_49 = tpu.vector_load %arg11[%swap3A_48] {strides = array<i32>} : memref<144xi32, #tpu.memory_space<vmem>>, vector<16xi32>,
    tpu.vector_store %arg11[%swap3A_48], %broadcast_in_dim3A_16 {strides = array<i32>} : memref<144xi32, #tpu.memory_space<vmem>>, vector<16xi32>,
    %swap3A_50 = arith.constant 80 : index
    %swap3A_51 = tpu.vector_load %arg12[%swap3A_50] {strides = array<i32>} : memref<144xi32, #tpu.memory_space<vmem>>, vector<16xi32>,
    tpu.vector_store %arg12[%swap3A_50], %broadcast_in_dim3A_16 {strides = array<i32>} : memref<144xi32, #tpu.memory_space<vmem>>, vector<16xi32>,
    %swap3A_52 = arith.constant 96 : index
    %swap3A_53 = tpu.vector_load %arg10[%swap3A_52] {strides = array<i32>} : memref<144xi32, #tpu.memory_space<vmem>>, vector<16xi32>,
    tpu.vector_store %arg10[%swap3A_52], %broadcast_in_dim3A_16 {strides = array<i32>} : memref<144xi32, #tpu.memory_space<vmem>>, vector<16xi32>,
    %swap3A_54 = arith.constant 96 : index
    %swap3A_55 = tpu.vector_load %arg11[%swap3A_54] {strides = array<i32>} : memref<144xi32, #tpu.memory_space<vmem>>, vector<16xi32>,
    tpu.vector_store %arg11[%swap3A_54], %broadcast_in_dim3A_16 {strides = array<i32>} : memref<144xi32, #tpu.memory_space<vmem>>, vector<16xi32>,
    %swap3A_56 = arith.constant 96 : index
    %swap3A_57 = tpu.vector_load %arg12[%swap3A_56] {strides = array<i32>} : memref<144xi32, #tpu.memory_space<vmem>>, vector<16xi32>,
    tpu.vector_store %arg12[%swap3A_56], %broadcast_in_dim3A_16 {strides = array<i32>} : memref<144xi32, #tpu.memory_space<vmem>>, vector<16xi32>,
    %swap3A_58 = arith.constant 112 : index
    %swap3A_59 = tpu.vector_load %arg10[%swap3A_58] {strides = array<i32>} : memref<144xi32, #tpu.memory_space<vmem>>, vector<16xi32>,
    tpu.vector_store %arg10[%swap3A_58], %broadcast_in_dim3A_16 {strides = array<i32>} : memref<144xi32, #tpu.memory_space<vmem>>, vector<16xi32>,
    %swap3A_60 = arith.constant 112 : index
    %swap3A_61 = tpu.vector_load %arg11[%swap3A_60] {strides = array<i32>} : memref<144xi32, #tpu.memory_space<vmem>>, vector<16xi32>,
    tpu.vector_store %arg11[%swap3A_60], %broadcast_in_dim3A_16 {strides = array<i32>} : memref<144xi32, #tpu.memory_space<vmem>>, vector<16xi32>,
    %swap3A_62 = arith.constant 112 : index
    %swap3A_63 = tpu.vector_load %arg12[%swap3A_62] {strides = array<i32>} : memref<144xi32, #tpu.memory_space<vmem>>, vector<16xi32>,
    tpu.vector_store %arg12[%swap3A_62], %broadcast_in_dim3A_16 {strides = array<i32>} : memref<144xi32, #tpu.memory_space<vmem>>, vector<16xi32>,
    %swap3A_64 = arith.constant 128 : index
    %swap3A_65 = tpu.vector_load %arg10[%swap3A_64] {strides = array<i32>} : memref<144xi32, #tpu.memory_space<vmem>>, vector<16xi32>,
    tpu.vector_store %arg10[%swap3A_64], %broadcast_in_dim3A_16 {strides = array<i32>} : memref<144xi32, #tpu.memory_space<vmem>>, vector<16xi32>,
    %swap3A_66 = arith.constant 128 : index
    %swap3A_67 = tpu.vector_load %arg11[%swap3A_66] {strides = array<i32>} : memref<144xi32, #tpu.memory_space<vmem>>, vector<16xi32>,
    tpu.vector_store %arg11[%swap3A_66], %broadcast_in_dim3A_16 {strides = array<i32>} : memref<144xi32, #tpu.memory_space<vmem>>, vector<16xi32>,
    %swap3A_68 = arith.constant 128 : index
    %swap3A_69 = tpu.vector_load %arg12[%swap3A_68] {strides = array<i32>} : memref<144xi32, #tpu.memory_space<vmem>>, vector<16xi32>,
    tpu.vector_store %arg12[%swap3A_68], %broadcast_in_dim3A_16 {strides = array<i32>} : memref<144xi32, #tpu.memory_space<vmem>>, vector<16xi32>,
    %get3A = arith.constant 0 : index
    %get3A_70 = tpu.vector_load %arg7[%get3A] {strides = array<i32>} : memref<128xi32, #tpu.memory_space<vmem>>, vector<16xi32>,
    %get3A_71 = arith.constant 0 : index
    %get3A_72 = tpu.vector_load %arg8[%get3A_71] {strides = array<i32>} : memref<128xi32, #tpu.memory_space<vmem>>, vector<16xi32>,
    %get3A_73 = arith.constant 0 : index
    %get3A_74 = tpu.vector_load %arg9[%get3A_73] {strides = array<i32>} : memref<128xi32, #tpu.memory_space<vmem>>, vector<16xi32>,
    %add3A_75 = arith.addi %get3A_72, %get3A_74 : vector<16xi32>
    %add3A_76 = arith.constant 512 : i32
    %add3A_77 = arith.addi %mul3A_2, %add3A_76 : i32
    %lt3A = vector.broadcast %add3A_77 : i32 to vector<16xi32>
    %lt3A_78 = arith.cmpi slt, %get3A_72, %lt3A : vector<16xi32>
    %gt3A = vector.broadcast %mul3A_2 : i32 to vector<16xi32>
    %gt3A_79 = arith.cmpi sgt, %add3A_75, %gt3A : vector<16xi32>
    %and3A = arith.andi %lt3A_78, %gt3A_79 : vector<16xi1>
    %gt3A_80 = arith.constant 0 : i32
    %gt3A_81 = vector.broadcast %gt3A_80 : i32 to vector<16xi32>
    %gt3A_82 = arith.cmpi sgt, %get3A_74, %gt3A_81 : vector<16xi32>
    %and3A_83 = arith.andi %and3A, %gt3A_82 : vector<16xi1>
    %jit3A = arith.constant 1 : i32
    %jit3A_84 = arith.constant 0 : i32
    %broadcast_in_dim3A_85 = vector.broadcast %jit3A : i32 to vector<16xi32>
    %broadcast_in_dim3A_86 = vector.broadcast %jit3A_84 : i32 to vector<16xi32>
    %select_n3A = arith.select %and3A_83, %broadcast_in_dim3A_85, %broadcast_in_dim3A_86 : vector<16xi1>, vector<16xi32>
    %masked_cumsum3A = tpu.scan <sum>, %select_n3A masked %and3A_83 : vector<16xi32>, vector<16xi1> -> vector<16xi32>
    %add3A_87 = arith.constant 0 : i32
    %add3A_88 = vector.broadcast %add3A_87 : i32 to vector<16xi32>
    %add3A_89 = arith.addi %add3A_88, %masked_cumsum3A : vector<16xi32>
    %sub3A = arith.constant 1 : i32
    %sub3A_90 = vector.broadcast %sub3A : i32 to vector<16xi32>
    %sub3A_91 = arith.subi %add3A_89, %sub3A_90 : vector<16xi32>
    tpu.vector_store_idx %arg10[%sub3A_91], %get3A_70 masked %and3A_83 : memref<144xi32, #tpu.memory_space<vmem>>[vector<16xi32>], vector<16xi32>, vector<16xi1>
    tpu.vector_store_idx %arg11[%sub3A_91], %get3A_72 masked %and3A_83 : memref<144xi32, #tpu.memory_space<vmem>>[vector<16xi32>], vector<16xi32>, vector<16xi1>
    tpu.vector_store_idx %arg12[%sub3A_91], %add3A_75 masked %and3A_83 : memref<144xi32, #tpu.memory_space<vmem>>[vector<16xi32>], vector<16xi32>, vector<16xi1>
    %all_reduce_population_count3A = tpu.all_reduce %and3A_83 {dim = 0 : i64, kind = #tpu.reduction_kind<sum>} : vector<16xi1> -> vector<16xi32>
    %slice3A = vector.extract_strided_slice %all_reduce_population_count3A {offsets = [0], sizes = [1], strides = [1]} : vector<16xi32> to vector<1xi32>
    %squeeze3A = vector.extract %slice3A[0] : i32 from vector<1xi32>
    %add3A_92 = arith.constant 0 : i32
    %add3A_93 = arith.addi %add3A_92, %squeeze3A : i32
    %get3A_94 = arith.constant 16 : index
    %get3A_95 = tpu.vector_load %arg7[%get3A_94] {strides = array<i32>} : memref<128xi32, #tpu.memory_space<vmem>>, vector<16xi32>,
    %get3A_96 = arith.constant 16 : index
    %get3A_97 = tpu.vector_load %arg8[%get3A_96] {strides = array<i32>} : memref<128xi32, #tpu.memory_space<vmem>>, vector<16xi32>,
    %get3A_98 = arith.constant 16 : index
    %get3A_99 = tpu.vector_load %arg9[%get3A_98] {strides = array<i32>} : memref<128xi32, #tpu.memory_space<vmem>>, vector<16xi32>,
    %add3A_100 = arith.addi %get3A_97, %get3A_99 : vector<16xi32>
    %add3A_101 = arith.constant 512 : i32
    %add3A_102 = arith.addi %mul3A_2, %add3A_101 : i32
    %lt3A_103 = vector.broadcast %add3A_102 : i32 to vector<16xi32>
    %lt3A_104 = arith.cmpi slt, %get3A_97, %lt3A_103 : vector<16xi32>
    %gt3A_105 = vector.broadcast %mul3A_2 : i32 to vector<16xi32>
    %gt3A_106 = arith.cmpi sgt, %add3A_100, %gt3A_105 : vector<16xi32>
    %and3A_107 = arith.andi %lt3A_104, %gt3A_106 : vector<16xi1>
    %gt3A_108 = arith.constant 0 : i32
    %gt3A_109 = vector.broadcast %gt3A_108 : i32 to vector<16xi32>
    %gt3A_110 = arith.cmpi sgt, %get3A_99, %gt3A_109 : vector<16xi32>
    %and3A_111 = arith.andi %and3A_107, %gt3A_110 : vector<16xi1>
    %jit3A_112 = arith.constant 1 : i32
    %jit3A_113 = arith.constant 0 : i32
    %broadcast_in_dim3A_114 = vector.broadcast %jit3A_112 : i32 to vector<16xi32>
    %broadcast_in_dim3A_115 = vector.broadcast %jit3A_113 : i32 to vector<16xi32>
    %select_n3A_116 = arith.select %and3A_111, %broadcast_in_dim3A_114, %broadcast_in_dim3A_115 : vector<16xi1>, vector<16xi32>
    %masked_cumsum3A_117 = tpu.scan <sum>, %select_n3A_116 masked %and3A_111 : vector<16xi32>, vector<16xi1> -> vector<16xi32>
    %add3A_118 = vector.broadcast %add3A_93 : i32 to vector<16xi32>
    %add3A_119 = arith.addi %add3A_118, %masked_cumsum3A_117 : vector<16xi32>
    %sub3A_120 = arith.constant 1 : i32
    %sub3A_121 = vector.broadcast %sub3A_120 : i32 to vector<16xi32>
    %sub3A_122 = arith.subi %add3A_119, %sub3A_121 : vector<16xi32>
    tpu.vector_store_idx %arg10[%sub3A_122], %get3A_95 masked %and3A_111 : memref<144xi32, #tpu.memory_space<vmem>>[vector<16xi32>], vector<16xi32>, vector<16xi1>
    tpu.vector_store_idx %arg11[%sub3A_122], %get3A_97 masked %and3A_111 : memref<144xi32, #tpu.memory_space<vmem>>[vector<16xi32>], vector<16xi32>, vector<16xi1>
    tpu.vector_store_idx %arg12[%sub3A_122], %add3A_100 masked %and3A_111 : memref<144xi32, #tpu.memory_space<vmem>>[vector<16xi32>], vector<16xi32>, vector<16xi1>
    %all_reduce_population_count3A_123 = tpu.all_reduce %and3A_111 {dim = 0 : i64, kind = #tpu.reduction_kind<sum>} : vector<16xi1> -> vector<16xi32>
    %slice3A_124 = vector.extract_strided_slice %all_reduce_population_count3A_123 {offsets = [0], sizes = [1], strides = [1]} : vector<16xi32> to vector<1xi32>
    %squeeze3A_125 = vector.extract %slice3A_124[0] : i32 from vector<1xi32>
    %add3A_126 = arith.addi %add3A_93, %squeeze3A_125 : i32
    %get3A_127 = arith.constant 32 : index
    %get3A_128 = tpu.vector_load %arg7[%get3A_127] {strides = array<i32>} : memref<128xi32, #tpu.memory_space<vmem>>, vector<16xi32>,
    %get3A_129 = arith.constant 32 : index
    %get3A_130 = tpu.vector_load %arg8[%get3A_129] {strides = array<i32>} : memref<128xi32, #tpu.memory_space<vmem>>, vector<16xi32>,
    %get3A_131 = arith.constant 32 : index
    %get3A_132 = tpu.vector_load %arg9[%get3A_131] {strides = array<i32>} : memref<128xi32, #tpu.memory_space<vmem>>, vector<16xi32>,
    %add3A_133 = arith.addi %get3A_130, %get3A_132 : vector<16xi32>
    %add3A_134 = arith.constant 512 : i32
    %add3A_135 = arith.addi %mul3A_2, %add3A_134 : i32
    %lt3A_136 = vector.broadcast %add3A_135 : i32 to vector<16xi32>
    %lt3A_137 = arith.cmpi slt, %get3A_130, %lt3A_136 : vector<16xi32>
    %gt3A_138 = vector.broadcast %mul3A_2 : i32 to vector<16xi32>
    %gt3A_139 = arith.cmpi sgt, %add3A_133, %gt3A_138 : vector<16xi32>
    %and3A_140 = arith.andi %lt3A_137, %gt3A_139 : vector<16xi1>
    %gt3A_141 = arith.constant 0 : i32
    %gt3A_142 = vector.broadcast %gt3A_141 : i32 to vector<16xi32>
    %gt3A_143 = arith.cmpi sgt, %get3A_132, %gt3A_142 : vector<16xi32>
    %and3A_144 = arith.andi %and3A_140, %gt3A_143 : vector<16xi1>
    %jit3A_145 = arith.constant 1 : i32
    %jit3A_146 = arith.constant 0 : i32
    %broadcast_in_dim3A_147 = vector.broadcast %jit3A_145 : i32 to vector<16xi32>
    %broadcast_in_dim3A_148 = vector.broadcast %jit3A_146 : i32 to vector<16xi32>
    %select_n3A_149 = arith.select %and3A_144, %broadcast_in_dim3A_147, %broadcast_in_dim3A_148 : vector<16xi1>, vector<16xi32>
    %masked_cumsum3A_150 = tpu.scan <sum>, %select_n3A_149 masked %and3A_144 : vector<16xi32>, vector<16xi1> -> vector<16xi32>
    %add3A_151 = vector.broadcast %add3A_126 : i32 to vector<16xi32>
    %add3A_152 = arith.addi %add3A_151, %masked_cumsum3A_150 : vector<16xi32>
    %sub3A_153 = arith.constant 1 : i32
    %sub3A_154 = vector.broadcast %sub3A_153 : i32 to vector<16xi32>
    %sub3A_155 = arith.subi %add3A_152, %sub3A_154 : vector<16xi32>
    tpu.vector_store_idx %arg10[%sub3A_155], %get3A_128 masked %and3A_144 : memref<144xi32, #tpu.memory_space<vmem>>[vector<16xi32>], vector<16xi32>, vector<16xi1>
    tpu.vector_store_idx %arg11[%sub3A_155], %get3A_130 masked %and3A_144 : memref<144xi32, #tpu.memory_space<vmem>>[vector<16xi32>], vector<16xi32>, vector<16xi1>
    tpu.vector_store_idx %arg12[%sub3A_155], %add3A_133 masked %and3A_144 : memref<144xi32, #tpu.memory_space<vmem>>[vector<16xi32>], vector<16xi32>, vector<16xi1>
    %all_reduce_population_count3A_156 = tpu.all_reduce %and3A_144 {dim = 0 : i64, kind = #tpu.reduction_kind<sum>} : vector<16xi1> -> vector<16xi32>
    %slice3A_157 = vector.extract_strided_slice %all_reduce_population_count3A_156 {offsets = [0], sizes = [1], strides = [1]} : vector<16xi32> to vector<1xi32>
    %squeeze3A_158 = vector.extract %slice3A_157[0] : i32 from vector<1xi32>
    %add3A_159 = arith.addi %add3A_126, %squeeze3A_158 : i32
    %get3A_160 = arith.constant 48 : index
    %get3A_161 = tpu.vector_load %arg7[%get3A_160] {strides = array<i32>} : memref<128xi32, #tpu.memory_space<vmem>>, vector<16xi32>,
    %get3A_162 = arith.constant 48 : index
    %get3A_163 = tpu.vector_load %arg8[%get3A_162] {strides = array<i32>} : memref<128xi32, #tpu.memory_space<vmem>>, vector<16xi32>,
    %get3A_164 = arith.constant 48 : index
    %get3A_165 = tpu.vector_load %arg9[%get3A_164] {strides = array<i32>} : memref<128xi32, #tpu.memory_space<vmem>>, vector<16xi32>,
    %add3A_166 = arith.addi %get3A_163, %get3A_165 : vector<16xi32>
    %add3A_167 = arith.constant 512 : i32
    %add3A_168 = arith.addi %mul3A_2, %add3A_167 : i32
    %lt3A_169 = vector.broadcast %add3A_168 : i32 to vector<16xi32>
    %lt3A_170 = arith.cmpi slt, %get3A_163, %lt3A_169 : vector<16xi32>
    %gt3A_171 = vector.broadcast %mul3A_2 : i32 to vector<16xi32>
    %gt3A_172 = arith.cmpi sgt, %add3A_166, %gt3A_171 : vector<16xi32>
    %and3A_173 = arith.andi %lt3A_170, %gt3A_172 : vector<16xi1>
    %gt3A_174 = arith.constant 0 : i32
    %gt3A_175 = vector.broadcast %gt3A_174 : i32 to vector<16xi32>
    %gt3A_176 = arith.cmpi sgt, %get3A_165, %gt3A_175 : vector<16xi32>
    %and3A_177 = arith.andi %and3A_173, %gt3A_176 : vector<16xi1>
    %jit3A_178 = arith.constant 1 : i32
    %jit3A_179 = arith.constant 0 : i32
    %broadcast_in_dim3A_180 = vector.broadcast %jit3A_178 : i32 to vector<16xi32>
    %broadcast_in_dim3A_181 = vector.broadcast %jit3A_179 : i32 to vector<16xi32>
    %select_n3A_182 = arith.select %and3A_177, %broadcast_in_dim3A_180, %broadcast_in_dim3A_181 : vector<16xi1>, vector<16xi32>
    %masked_cumsum3A_183 = tpu.scan <sum>, %select_n3A_182 masked %and3A_177 : vector<16xi32>, vector<16xi1> -> vector<16xi32>
    %add3A_184 = vector.broadcast %add3A_159 : i32 to vector<16xi32>
    %add3A_185 = arith.addi %add3A_184, %masked_cumsum3A_183 : vector<16xi32>
    %sub3A_186 = arith.constant 1 : i32
    %sub3A_187 = vector.broadcast %sub3A_186 : i32 to vector<16xi32>
    %sub3A_188 = arith.subi %add3A_185, %sub3A_187 : vector<16xi32>
    tpu.vector_store_idx %arg10[%sub3A_188], %get3A_161 masked %and3A_177 : memref<144xi32, #tpu.memory_space<vmem>>[vector<16xi32>], vector<16xi32>, vector<16xi1>
    tpu.vector_store_idx %arg11[%sub3A_188], %get3A_163 masked %and3A_177 : memref<144xi32, #tpu.memory_space<vmem>>[vector<16xi32>], vector<16xi32>, vector<16xi1>
    tpu.vector_store_idx %arg12[%sub3A_188], %add3A_166 masked %and3A_177 : memref<144xi32, #tpu.memory_space<vmem>>[vector<16xi32>], vector<16xi32>, vector<16xi1>
    %all_reduce_population_count3A_189 = tpu.all_reduce %and3A_177 {dim = 0 : i64, kind = #tpu.reduction_kind<sum>} : vector<16xi1> -> vector<16xi32>
    %slice3A_190 = vector.extract_strided_slice %all_reduce_population_count3A_189 {offsets = [0], sizes = [1], strides = [1]} : vector<16xi32> to vector<1xi32>
    %squeeze3A_191 = vector.extract %slice3A_190[0] : i32 from vector<1xi32>
    %add3A_192 = arith.addi %add3A_159, %squeeze3A_191 : i32
    %get3A_193 = arith.constant 64 : index
    %get3A_194 = tpu.vector_load %arg7[%get3A_193] {strides = array<i32>} : memref<128xi32, #tpu.memory_space<vmem>>, vector<16xi32>,
    %get3A_195 = arith.constant 64 : index
    %get3A_196 = tpu.vector_load %arg8[%get3A_195] {strides = array<i32>} : memref<128xi32, #tpu.memory_space<vmem>>, vector<16xi32>,
    %get3A_197 = arith.constant 64 : index
    %get3A_198 = tpu.vector_load %arg9[%get3A_197] {strides = array<i32>} : memref<128xi32, #tpu.memory_space<vmem>>, vector<16xi32>,
    %add3A_199 = arith.addi %get3A_196, %get3A_198 : vector<16xi32>
    %add3A_200 = arith.constant 512 : i32
    %add3A_201 = arith.addi %mul3A_2, %add3A_200 : i32
    %lt3A_202 = vector.broadcast %add3A_201 : i32 to vector<16xi32>
    %lt3A_203 = arith.cmpi slt, %get3A_196, %lt3A_202 : vector<16xi32>
    %gt3A_204 = vector.broadcast %mul3A_2 : i32 to vector<16xi32>
    %gt3A_205 = arith.cmpi sgt, %add3A_199, %gt3A_204 : vector<16xi32>
    %and3A_206 = arith.andi %lt3A_203, %gt3A_205 : vector<16xi1>
    %gt3A_207 = arith.constant 0 : i32
    %gt3A_208 = vector.broadcast %gt3A_207 : i32 to vector<16xi32>
    %gt3A_209 = arith.cmpi sgt, %get3A_198, %gt3A_208 : vector<16xi32>
    %and3A_210 = arith.andi %and3A_206, %gt3A_209 : vector<16xi1>
    %jit3A_211 = arith.constant 1 : i32
    %jit3A_212 = arith.constant 0 : i32
    %broadcast_in_dim3A_213 = vector.broadcast %jit3A_211 : i32 to vector<16xi32>
    %broadcast_in_dim3A_214 = vector.broadcast %jit3A_212 : i32 to vector<16xi32>
    %select_n3A_215 = arith.select %and3A_210, %broadcast_in_dim3A_213, %broadcast_in_dim3A_214 : vector<16xi1>, vector<16xi32>
    %masked_cumsum3A_216 = tpu.scan <sum>, %select_n3A_215 masked %and3A_210 : vector<16xi32>, vector<16xi1> -> vector<16xi32>
    %add3A_217 = vector.broadcast %add3A_192 : i32 to vector<16xi32>
    %add3A_218 = arith.addi %add3A_217, %masked_cumsum3A_216 : vector<16xi32>
    %sub3A_219 = arith.constant 1 : i32
    %sub3A_220 = vector.broadcast %sub3A_219 : i32 to vector<16xi32>
    %sub3A_221 = arith.subi %add3A_218, %sub3A_220 : vector<16xi32>
    tpu.vector_store_idx %arg10[%sub3A_221], %get3A_194 masked %and3A_210 : memref<144xi32, #tpu.memory_space<vmem>>[vector<16xi32>], vector<16xi32>, vector<16xi1>
    tpu.vector_store_idx %arg11[%sub3A_221], %get3A_196 masked %and3A_210 : memref<144xi32, #tpu.memory_space<vmem>>[vector<16xi32>], vector<16xi32>, vector<16xi1>
    tpu.vector_store_idx %arg12[%sub3A_221], %add3A_199 masked %and3A_210 : memref<144xi32, #tpu.memory_space<vmem>>[vector<16xi32>], vector<16xi32>, vector<16xi1>
    %all_reduce_population_count3A_222 = tpu.all_reduce %and3A_210 {dim = 0 : i64, kind = #tpu.reduction_kind<sum>} : vector<16xi1> -> vector<16xi32>
    %slice3A_223 = vector.extract_strided_slice %all_reduce_population_count3A_222 {offsets = [0], sizes = [1], strides = [1]} : vector<16xi32> to vector<1xi32>
    %squeeze3A_224 = vector.extract %slice3A_223[0] : i32 from vector<1xi32>
    %add3A_225 = arith.addi %add3A_192, %squeeze3A_224 : i32
    %get3A_226 = arith.constant 80 : index
    %get3A_227 = tpu.vector_load %arg7[%get3A_226] {strides = array<i32>} : memref<128xi32, #tpu.memory_space<vmem>>, vector<16xi32>,
    %get3A_228 = arith.constant 80 : index
    %get3A_229 = tpu.vector_load %arg8[%get3A_228] {strides = array<i32>} : memref<128xi32, #tpu.memory_space<vmem>>, vector<16xi32>,
    %get3A_230 = arith.constant 80 : index
    %get3A_231 = tpu.vector_load %arg9[%get3A_230] {strides = array<i32>} : memref<128xi32, #tpu.memory_space<vmem>>, vector<16xi32>,
    %add3A_232 = arith.addi %get3A_229, %get3A_231 : vector<16xi32>
    %add3A_233 = arith.constant 512 : i32
    %add3A_234 = arith.addi %mul3A_2, %add3A_233 : i32
    %lt3A_235 = vector.broadcast %add3A_234 : i32 to vector<16xi32>
    %lt3A_236 = arith.cmpi slt, %get3A_229, %lt3A_235 : vector<16xi32>
    %gt3A_237 = vector.broadcast %mul3A_2 : i32 to vector<16xi32>
    %gt3A_238 = arith.cmpi sgt, %add3A_232, %gt3A_237 : vector<16xi32>
    %and3A_239 = arith.andi %lt3A_236, %gt3A_238 : vector<16xi1>
    %gt3A_240 = arith.constant 0 : i32
    %gt3A_241 = vector.broadcast %gt3A_240 : i32 to vector<16xi32>
    %gt3A_242 = arith.cmpi sgt, %get3A_231, %gt3A_241 : vector<16xi32>
    %and3A_243 = arith.andi %and3A_239, %gt3A_242 : vector<16xi1>
    %jit3A_244 = arith.constant 1 : i32
    %jit3A_245 = arith.constant 0 : i32
    %broadcast_in_dim3A_246 = vector.broadcast %jit3A_244 : i32 to vector<16xi32>
    %broadcast_in_dim3A_247 = vector.broadcast %jit3A_245 : i32 to vector<16xi32>
    %select_n3A_248 = arith.select %and3A_243, %broadcast_in_dim3A_246, %broadcast_in_dim3A_247 : vector<16xi1>, vector<16xi32>
    %masked_cumsum3A_249 = tpu.scan <sum>, %select_n3A_248 masked %and3A_243 : vector<16xi32>, vector<16xi1> -> vector<16xi32>
    %add3A_250 = vector.broadcast %add3A_225 : i32 to vector<16xi32>
    %add3A_251 = arith.addi %add3A_250, %masked_cumsum3A_249 : vector<16xi32>
    %sub3A_252 = arith.constant 1 : i32
    %sub3A_253 = vector.broadcast %sub3A_252 : i32 to vector<16xi32>
    %sub3A_254 = arith.subi %add3A_251, %sub3A_253 : vector<16xi32>
    tpu.vector_store_idx %arg10[%sub3A_254], %get3A_227 masked %and3A_243 : memref<144xi32, #tpu.memory_space<vmem>>[vector<16xi32>], vector<16xi32>, vector<16xi1>
    tpu.vector_store_idx %arg11[%sub3A_254], %get3A_229 masked %and3A_243 : memref<144xi32, #tpu.memory_space<vmem>>[vector<16xi32>], vector<16xi32>, vector<16xi1>
    tpu.vector_store_idx %arg12[%sub3A_254], %add3A_232 masked %and3A_243 : memref<144xi32, #tpu.memory_space<vmem>>[vector<16xi32>], vector<16xi32>, vector<16xi1>
    %all_reduce_population_count3A_255 = tpu.all_reduce %and3A_243 {dim = 0 : i64, kind = #tpu.reduction_kind<sum>} : vector<16xi1> -> vector<16xi32>
    %slice3A_256 = vector.extract_strided_slice %all_reduce_population_count3A_255 {offsets = [0], sizes = [1], strides = [1]} : vector<16xi32> to vector<1xi32>
    %squeeze3A_257 = vector.extract %slice3A_256[0] : i32 from vector<1xi32>
    %add3A_258 = arith.addi %add3A_225, %squeeze3A_257 : i32
    %get3A_259 = arith.constant 96 : index
    %get3A_260 = tpu.vector_load %arg7[%get3A_259] {strides = array<i32>} : memref<128xi32, #tpu.memory_space<vmem>>, vector<16xi32>,
    %get3A_261 = arith.constant 96 : index
    %get3A_262 = tpu.vector_load %arg8[%get3A_261] {strides = array<i32>} : memref<128xi32, #tpu.memory_space<vmem>>, vector<16xi32>,
    %get3A_263 = arith.constant 96 : index
    %get3A_264 = tpu.vector_load %arg9[%get3A_263] {strides = array<i32>} : memref<128xi32, #tpu.memory_space<vmem>>, vector<16xi32>,
    %add3A_265 = arith.addi %get3A_262, %get3A_264 : vector<16xi32>
    %add3A_266 = arith.constant 512 : i32
    %add3A_267 = arith.addi %mul3A_2, %add3A_266 : i32
    %lt3A_268 = vector.broadcast %add3A_267 : i32 to vector<16xi32>
    %lt3A_269 = arith.cmpi slt, %get3A_262, %lt3A_268 : vector<16xi32>
    %gt3A_270 = vector.broadcast %mul3A_2 : i32 to vector<16xi32>
    %gt3A_271 = arith.cmpi sgt, %add3A_265, %gt3A_270 : vector<16xi32>
    %and3A_272 = arith.andi %lt3A_269, %gt3A_271 : vector<16xi1>
    %gt3A_273 = arith.constant 0 : i32
    %gt3A_274 = vector.broadcast %gt3A_273 : i32 to vector<16xi32>
    %gt3A_275 = arith.cmpi sgt, %get3A_264, %gt3A_274 : vector<16xi32>
    %and3A_276 = arith.andi %and3A_272, %gt3A_275 : vector<16xi1>
    %jit3A_277 = arith.constant 1 : i32
    %jit3A_278 = arith.constant 0 : i32
    %broadcast_in_dim3A_279 = vector.broadcast %jit3A_277 : i32 to vector<16xi32>
    %broadcast_in_dim3A_280 = vector.broadcast %jit3A_278 : i32 to vector<16xi32>
    %select_n3A_281 = arith.select %and3A_276, %broadcast_in_dim3A_279, %broadcast_in_dim3A_280 : vector<16xi1>, vector<16xi32>
    %masked_cumsum3A_282 = tpu.scan <sum>, %select_n3A_281 masked %and3A_276 : vector<16xi32>, vector<16xi1> -> vector<16xi32>
    %add3A_283 = vector.broadcast %add3A_258 : i32 to vector<16xi32>
    %add3A_284 = arith.addi %add3A_283, %masked_cumsum3A_282 : vector<16xi32>
    %sub3A_285 = arith.constant 1 : i32
    %sub3A_286 = vector.broadcast %sub3A_285 : i32 to vector<16xi32>
    %sub3A_287 = arith.subi %add3A_284, %sub3A_286 : vector<16xi32>
    tpu.vector_store_idx %arg10[%sub3A_287], %get3A_260 masked %and3A_276 : memref<144xi32, #tpu.memory_space<vmem>>[vector<16xi32>], vector<16xi32>, vector<16xi1>
    tpu.vector_store_idx %arg11[%sub3A_287], %get3A_262 masked %and3A_276 : memref<144xi32, #tpu.memory_space<vmem>>[vector<16xi32>], vector<16xi32>, vector<16xi1>
    tpu.vector_store_idx %arg12[%sub3A_287], %add3A_265 masked %and3A_276 : memref<144xi32, #tpu.memory_space<vmem>>[vector<16xi32>], vector<16xi32>, vector<16xi1>
    %all_reduce_population_count3A_288 = tpu.all_reduce %and3A_276 {dim = 0 : i64, kind = #tpu.reduction_kind<sum>} : vector<16xi1> -> vector<16xi32>
    %slice3A_289 = vector.extract_strided_slice %all_reduce_population_count3A_288 {offsets = [0], sizes = [1], strides = [1]} : vector<16xi32> to vector<1xi32>
    %squeeze3A_290 = vector.extract %slice3A_289[0] : i32 from vector<1xi32>
    %add3A_291 = arith.addi %add3A_258, %squeeze3A_290 : i32
    %get3A_292 = arith.constant 112 : index
    %get3A_293 = tpu.vector_load %arg7[%get3A_292] {strides = array<i32>} : memref<128xi32, #tpu.memory_space<vmem>>, vector<16xi32>,
    %get3A_294 = arith.constant 112 : index
    %get3A_295 = tpu.vector_load %arg8[%get3A_294] {strides = array<i32>} : memref<128xi32, #tpu.memory_space<vmem>>, vector<16xi32>,
    %get3A_296 = arith.constant 112 : index
    %get3A_297 = tpu.vector_load %arg9[%get3A_296] {strides = array<i32>} : memref<128xi32, #tpu.memory_space<vmem>>, vector<16xi32>,
    %add3A_298 = arith.addi %get3A_295, %get3A_297 : vector<16xi32>
    %add3A_299 = arith.constant 512 : i32
    %add3A_300 = arith.addi %mul3A_2, %add3A_299 : i32
    %lt3A_301 = vector.broadcast %add3A_300 : i32 to vector<16xi32>
    %lt3A_302 = arith.cmpi slt, %get3A_295, %lt3A_301 : vector<16xi32>
    %gt3A_303 = vector.broadcast %mul3A_2 : i32 to vector<16xi32>
    %gt3A_304 = arith.cmpi sgt, %add3A_298, %gt3A_303 : vector<16xi32>
    %and3A_305 = arith.andi %lt3A_302, %gt3A_304 : vector<16xi1>
    %gt3A_306 = arith.constant 0 : i32
    %gt3A_307 = vector.broadcast %gt3A_306 : i32 to vector<16xi32>
    %gt3A_308 = arith.cmpi sgt, %get3A_297, %gt3A_307 : vector<16xi32>
    %and3A_309 = arith.andi %and3A_305, %gt3A_308 : vector<16xi1>
    %jit3A_310 = arith.constant 1 : i32
    %jit3A_311 = arith.constant 0 : i32
    %broadcast_in_dim3A_312 = vector.broadcast %jit3A_310 : i32 to vector<16xi32>
    %broadcast_in_dim3A_313 = vector.broadcast %jit3A_311 : i32 to vector<16xi32>
    %select_n3A_314 = arith.select %and3A_309, %broadcast_in_dim3A_312, %broadcast_in_dim3A_313 : vector<16xi1>, vector<16xi32>
    %masked_cumsum3A_315 = tpu.scan <sum>, %select_n3A_314 masked %and3A_309 : vector<16xi32>, vector<16xi1> -> vector<16xi32>
    %add3A_316 = vector.broadcast %add3A_291 : i32 to vector<16xi32>
    %add3A_317 = arith.addi %add3A_316, %masked_cumsum3A_315 : vector<16xi32>
    %sub3A_318 = arith.constant 1 : i32
    %sub3A_319 = vector.broadcast %sub3A_318 : i32 to vector<16xi32>
    %sub3A_320 = arith.subi %add3A_317, %sub3A_319 : vector<16xi32>
    tpu.vector_store_idx %arg10[%sub3A_320], %get3A_293 masked %and3A_309 : memref<144xi32, #tpu.memory_space<vmem>>[vector<16xi32>], vector<16xi32>, vector<16xi1>
    tpu.vector_store_idx %arg11[%sub3A_320], %get3A_295 masked %and3A_309 : memref<144xi32, #tpu.memory_space<vmem>>[vector<16xi32>], vector<16xi32>, vector<16xi1>
    tpu.vector_store_idx %arg12[%sub3A_320], %add3A_298 masked %and3A_309 : memref<144xi32, #tpu.memory_space<vmem>>[vector<16xi32>], vector<16xi32>, vector<16xi1>
    %all_reduce_population_count3A_321 = tpu.all_reduce %and3A_309 {dim = 0 : i64, kind = #tpu.reduction_kind<sum>} : vector<16xi1> -> vector<16xi32>
    %slice3A_322 = vector.extract_strided_slice %all_reduce_population_count3A_321 {offsets = [0], sizes = [1], strides = [1]} : vector<16xi32> to vector<1xi32>
    %squeeze3A_323 = vector.extract %slice3A_322[0] : i32 from vector<1xi32>
    %add3A_324 = arith.addi %add3A_291, %squeeze3A_323 : i32
    %add3A_325 = arith.constant 15 : i32
    %add3A_326 = arith.addi %add3A_324, %add3A_325 : i32
    %jit3A_327 = arith.constant 16 : i32
    %div3A = arith.divsi %add3A_326, %jit3A_327 : i32
    %sign3A = arith.constant 0 : i32
    %sign3A_328 = arith.cmpi sgt, %add3A_326, %sign3A : i32
    %sign3A_329 = arith.extui %sign3A_328 : i1 to i32
    %sign3A_330 = arith.constant 0 : i32
    %sign3A_331 = arith.cmpi slt, %add3A_326, %sign3A_330 : i32
    %sign3A_332 = arith.extui %sign3A_331 : i1 to i32
    %sign3A_333 = arith.subi %sign3A_329, %sign3A_332 : i32
    %sign3A_334 = arith.constant 0 : i32
    %sign3A_335 = arith.cmpi sgt, %jit3A_327, %sign3A_334 : i32
    %sign3A_336 = arith.extui %sign3A_335 : i1 to i32
    %sign3A_337 = arith.constant 0 : i32
    %sign3A_338 = arith.cmpi slt, %jit3A_327, %sign3A_337 : i32
    %sign3A_339 = arith.extui %sign3A_338 : i1 to i32
    %sign3A_340 = arith.subi %sign3A_336, %sign3A_339 : i32
    %ne3A = arith.cmpi ne, %sign3A_333, %sign3A_340 : i32
    %rem3A = arith.remsi %add3A_326, %jit3A_327 : i32
    %ne3A_341 = arith.constant 0 : i32
    %ne3A_342 = arith.cmpi ne, %rem3A, %ne3A_341 : i32
    %and3A_343 = arith.andi %ne3A, %ne3A_342 : i1
    %sub3A_344 = arith.constant 1 : i32
    %sub3A_345 = arith.subi %div3A, %sub3A_344 : i32
    %select_n3A_346 = arith.select %and3A_343, %sub3A_345, %div3A : i32
    %scan3A = arith.constant 0 : i32
    %scan3A_347 = arith.constant 0 : i32
    %scan3A_348 = arith.constant 8 : i32
    %scan3A_349 = arith.addi %scan3A_347, %scan3A_348 : i32
    %scan3A_350 = arith.constant 1 : i32
    %scan3A_351 = scf.for %scan3A_376 = %scan3A_347 to %scan3A_349 step %scan3A_350 iter_args(%scan3A_377 = %scan3A) -> (i32)  : i32 {
      %mul3A_378 = arith.constant 4 : i32
      %mul3A_379 = arith.muli %mul3A_378, %scan3A_376 : i32
      %add3A_380 = arith.constant 0 : i32
      %add3A_381 = arith.addi %mul3A_379, %add3A_380 : i32
      %mul3A_382 = arith.constant 16 : i32
      %mul3A_383 = arith.muli %add3A_381, %mul3A_382 : i32
      %add3A_384 = arith.addi %mul3A_2, %mul3A_383 : i32
      %sub3A_385 = arith.constant 2 : i32
      %sub3A_386 = arith.subi %add3A_381, %sub3A_385 : i32
      %add3A_387 = arith.constant 2 : i32
      %add3A_388 = arith.addi %add3A_381, %add3A_387 : i32
      %lt3A_389 = arith.constant 32 : i32
      %lt3A_390 = arith.cmpi slt, %add3A_388, %lt3A_389 : i32
      %convert_element_type3A = arith.extui %lt3A_390 : i1 to i32
      %cond3A = arith.constant 0 : i32
      %cond3A_391 = arith.cmpi ne, %convert_element_type3A, %cond3A : i32
      scf.if %cond3A_391 {
        %ge3A = arith.constant 0 : i32
        %ge3A_520 = arith.cmpi sge, %sub3A_386, %ge3A : i32
        %convert_element_type3A_521 = arith.extui %ge3A_520 : i1 to i32
        %cond3A_522 = arith.constant 0 : i32
        %cond3A_523 = arith.cmpi ne, %convert_element_type3A_521, %cond3A_522 : i32
        scf.if %cond3A_523 {
          %sub3A_530 = arith.constant 32 : i32
          %sub3A_531 = arith.subi %add3A_384, %sub3A_530 : i32
          %dma_wait3A_532 = arith.constant 0 : i32
          %dma_wait3A_533 = tpu.memref_slice %arg6[%sub3A_531, %dma_wait3A_532] : memref<16384x1024xf32, #tpu.memory_space<hbm>> -> memref<16x1024xf32, #tpu.memory_space<hbm>>
          %dma_wait3A_534 = arith.constant 0 : i32
          %dma_wait3A_535 = tpu.memref_slice %arg6[%sub3A_531, %dma_wait3A_534] : memref<16384x1024xf32, #tpu.memory_space<hbm>> -> memref<16x1024xf32, #tpu.memory_space<hbm>>
          tpu.wait_dma2 semaphore(%arg24 : memref<!tpu.dma_semaphore, #tpu.memory_space<semaphore_mem>>) src(%arg15 : memref<16x1024xf32, #tpu.memory_space<vmem>>) dst(%dma_wait3A_535 : memref<16x1024xf32, #tpu.memory_space<hbm>>)
        } else {
        }
        %add3A_524 = arith.constant 32 : i32
        %add3A_525 = arith.addi %add3A_384, %add3A_524 : i32
        %dma_start3A_526 = arith.constant 0 : i32
        %dma_start3A_527 = tpu.memref_slice %arg2[%add3A_525, %dma_start3A_526] : memref<16384x1024xf32, #tpu.memory_space<hbm>> -> memref<16x1024xf32, #tpu.memory_space<hbm>>
        %dma_start3A_528 = arith.constant 0 : i32
        %dma_start3A_529 = tpu.memref_slice %arg2[%add3A_525, %dma_start3A_528] : memref<16384x1024xf32, #tpu.memory_space<hbm>> -> memref<16x1024xf32, #tpu.memory_space<hbm>>
        tpu.enqueue_dma source(%dma_start3A_529 : memref<16x1024xf32, #tpu.memory_space<hbm>>) target(%arg15 : memref<16x1024xf32, #tpu.memory_space<vmem>>) target_semaphore(%arg20 : memref<!tpu.dma_semaphore, #tpu.memory_space<semaphore_mem>>)
      } else {
      }
      %dma_wait3A_392 = arith.constant 0 : i32
      %dma_wait3A_393 = tpu.memref_slice %arg2[%add3A_384, %dma_wait3A_392] : memref<16384x1024xf32, #tpu.memory_space<hbm>> -> memref<16x1024xf32, #tpu.memory_space<hbm>>
      %dma_wait3A_394 = arith.constant 0 : i32
      %dma_wait3A_395 = tpu.memref_slice %arg2[%add3A_384, %dma_wait3A_394] : memref<16384x1024xf32, #tpu.memory_space<hbm>> -> memref<16x1024xf32, #tpu.memory_space<hbm>>
      tpu.wait_dma2 semaphore(%arg18 : memref<!tpu.dma_semaphore, #tpu.memory_space<semaphore_mem>>) src(%dma_wait3A_395 : memref<16x1024xf32, #tpu.memory_space<hbm>>) dst(%arg13 : memref<16x1024xf32, #tpu.memory_space<vmem>>)
      %while3A = arith.constant 0 : i32
      %while3A_396 = arith.constant 0 : i32
      %while3A_397 = arith.subi %select_n3A_346, %while3A : i32
      %while3A_398 = arith.addi %while3A, %while3A_397 : i32
      %while3A_399 = arith.constant 1 : i32
      %while3A_400 = arith.divsi %while3A_397, %while3A_399 : i32
      %while3A_401 = arith.muli %while3A_400, %while3A_399 : i32
      %while3A_402 = arith.addi %while3A, %while3A_401 : i32
      %while3A_403 = arith.constant 1 : i32
      %while3A_404 = scf.for %while3A_520 = %while3A to %while3A_402 step %while3A_403 iter_args(%while3A_521 = %while3A_396) -> (i32)  : i32 {
        %mul3A_522 = arith.constant 16 : i32
        %mul3A_523 = arith.muli %while3A_520, %mul3A_522 : i32
        %get3A_524 = arith.index_cast %mul3A_523 : i32 to index
        %get3A_525 = tpu.vector_load %arg10[%get3A_524] {strides = array<i32>} : memref<144xi32, #tpu.memory_space<vmem>>, vector<16xi32>,
        %mul3A_526 = arith.constant 16 : i32
        %mul3A_527 = arith.muli %while3A_520, %mul3A_526 : i32
        %get3A_528 = arith.index_cast %mul3A_527 : i32 to index
        %get3A_529 = tpu.vector_load %arg11[%get3A_528] {strides = array<i32>} : memref<144xi32, #tpu.memory_space<vmem>>, vector<16xi32>,
        %mul3A_530 = arith.constant 16 : i32
        %mul3A_531 = arith.muli %while3A_520, %mul3A_530 : i32
        %get3A_532 = arith.index_cast %mul3A_531 : i32 to index
        %get3A_533 = tpu.vector_load %arg12[%get3A_532] {strides = array<i32>} : memref<144xi32, #tpu.memory_space<vmem>>, vector<16xi32>,
        %add3A_534 = arith.constant 16 : i32
        %add3A_535 = arith.addi %add3A_384, %add3A_534 : i32
        %lt3A_536 = vector.broadcast %add3A_535 : i32 to vector<16xi32>
        %lt3A_537 = arith.cmpi slt, %get3A_529, %lt3A_536 : vector<16xi32>
        %gt3A_538 = vector.broadcast %add3A_384 : i32 to vector<16xi32>
        %gt3A_539 = arith.cmpi sgt, %get3A_533, %gt3A_538 : vector<16xi32>
        %and3A_540 = arith.andi %lt3A_537, %gt3A_539 : vector<16xi1>
        %all_reduce_population_count3A_541 = tpu.all_reduce %and3A_540 {dim = 0 : i64, kind = #tpu.reduction_kind<sum>} : vector<16xi1> -> vector<16xi32>
        %slice3A_542 = vector.extract_strided_slice %all_reduce_population_count3A_541 {offsets = [0], sizes = [1], strides = [1]} : vector<16xi32> to vector<1xi32>
        %squeeze3A_543 = vector.extract %slice3A_542[0] : i32 from vector<1xi32>
        %gt3A_544 = arith.constant 0 : i32
        %gt3A_545 = arith.cmpi sgt, %squeeze3A_543, %gt3A_544 : i32
        %convert_element_type3A_546 = arith.extui %gt3A_545 : i1 to i32
        %cond3A_547 = arith.constant 0 : i32
        %cond3A_548 = arith.cmpi ne, %convert_element_type3A_546, %cond3A_547 : i32
        scf.if %cond3A_548 {
          %scan3A_550 = arith.constant 0 : i32
          %scan3A_551 = arith.constant 0 : i32
          %scan3A_552 = arith.constant 16 : i32
          %scan3A_553 = arith.addi %scan3A_551, %scan3A_552 : i32
          %scan3A_554 = arith.constant 1 : i32
          %scan3A_555 = scf.for %scan3A_557 = %scan3A_551 to %scan3A_553 step %scan3A_554 iter_args(%scan3A_558 = %scan3A_550) -> (i32)  : i32 {
            %add3A_559 = arith.addi %add3A_384, %scan3A_557 : i32
            %ge3A = vector.broadcast %add3A_559 : i32 to vector<16xi32>
            %ge3A_560 = arith.cmpi sge, %ge3A, %get3A_529 : vector<16xi32>
            %lt3A_561 = vector.broadcast %add3A_559 : i32 to vector<16xi32>
            %lt3A_562 = arith.cmpi slt, %lt3A_561, %get3A_533 : vector<16xi32>
            %and3A_563 = arith.andi %ge3A_560, %lt3A_562 : vector<16xi1>
            %broadcast_in_dim3A_564 = vector.broadcast %scan3A_557 : i32 to vector<16xi32>
            tpu.vector_store_idx %arg13[%broadcast_in_dim3A_564, %get3A_525], %broadcast_in_dim3A_14 masked %and3A_563 : memref<16x1024xf32, #tpu.memory_space<vmem>>[vector<16xi32>, vector<16xi32>], vector<16xf32>, vector<16xi1>
            %scan3A_565 = arith.constant 0 : i32
            scf.yield %scan3A_565 : i32
          }
          %scan3A_556 = arith.constant 16 : i32
        } else {
        }
        %while3A_549 = arith.constant 0 : i32
        scf.yield %while3A_549 : i32
      }
      %while3A_405 = arith.constant 1 : i32
      %while3A_406 = scf.for %while3A_520 = %while3A_402 to %while3A_398 step %while3A_405 iter_args(%while3A_521 = %while3A_404) -> (i32)  : i32 {
        %mul3A_522 = arith.constant 16 : i32
        %mul3A_523 = arith.muli %while3A_520, %mul3A_522 : i32
        %get3A_524 = arith.index_cast %mul3A_523 : i32 to index
        %get3A_525 = tpu.vector_load %arg10[%get3A_524] {strides = array<i32>} : memref<144xi32, #tpu.memory_space<vmem>>, vector<16xi32>,
        %mul3A_526 = arith.constant 16 : i32
        %mul3A_527 = arith.muli %while3A_520, %mul3A_526 : i32
        %get3A_528 = arith.index_cast %mul3A_527 : i32 to index
        %get3A_529 = tpu.vector_load %arg11[%get3A_528] {strides = array<i32>} : memref<144xi32, #tpu.memory_space<vmem>>, vector<16xi32>,
        %mul3A_530 = arith.constant 16 : i32
        %mul3A_531 = arith.muli %while3A_520, %mul3A_530 : i32
        %get3A_532 = arith.index_cast %mul3A_531 : i32 to index
        %get3A_533 = tpu.vector_load %arg12[%get3A_532] {strides = array<i32>} : memref<144xi32, #tpu.memory_space<vmem>>, vector<16xi32>,
        %add3A_534 = arith.constant 16 : i32
        %add3A_535 = arith.addi %add3A_384, %add3A_534 : i32
        %lt3A_536 = vector.broadcast %add3A_535 : i32 to vector<16xi32>
        %lt3A_537 = arith.cmpi slt, %get3A_529, %lt3A_536 : vector<16xi32>
        %gt3A_538 = vector.broadcast %add3A_384 : i32 to vector<16xi32>
        %gt3A_539 = arith.cmpi sgt, %get3A_533, %gt3A_538 : vector<16xi32>
        %and3A_540 = arith.andi %lt3A_537, %gt3A_539 : vector<16xi1>
        %all_reduce_population_count3A_541 = tpu.all_reduce %and3A_540 {dim = 0 : i64, kind = #tpu.reduction_kind<sum>} : vector<16xi1> -> vector<16xi32>
        %slice3A_542 = vector.extract_strided_slice %all_reduce_population_count3A_541 {offsets = [0], sizes = [1], strides = [1]} : vector<16xi32> to vector<1xi32>
        %squeeze3A_543 = vector.extract %slice3A_542[0] : i32 from vector<1xi32>
        %gt3A_544 = arith.constant 0 : i32
        %gt3A_545 = arith.cmpi sgt, %squeeze3A_543, %gt3A_544 : i32
        %convert_element_type3A_546 = arith.extui %gt3A_545 : i1 to i32
        %cond3A_547 = arith.constant 0 : i32
        %cond3A_548 = arith.cmpi ne, %convert_element_type3A_546, %cond3A_547 : i32
        scf.if %cond3A_548 {
          %scan3A_550 = arith.constant 0 : i32
          %scan3A_551 = arith.constant 0 : i32
          %scan3A_552 = arith.constant 16 : i32
          %scan3A_553 = arith.addi %scan3A_551, %scan3A_552 : i32
          %scan3A_554 = arith.constant 1 : i32
          %scan3A_555 = scf.for %scan3A_557 = %scan3A_551 to %scan3A_553 step %scan3A_554 iter_args(%scan3A_558 = %scan3A_550) -> (i32)  : i32 {
            %add3A_559 = arith.addi %add3A_384, %scan3A_557 : i32
            %ge3A = vector.broadcast %add3A_559 : i32 to vector<16xi32>
            %ge3A_560 = arith.cmpi sge, %ge3A, %get3A_529 : vector<16xi32>
            %lt3A_561 = vector.broadcast %add3A_559 : i32 to vector<16xi32>
            %lt3A_562 = arith.cmpi slt, %lt3A_561, %get3A_533 : vector<16xi32>
            %and3A_563 = arith.andi %ge3A_560, %lt3A_562 : vector<16xi1>
            %broadcast_in_dim3A_564 = vector.broadcast %scan3A_557 : i32 to vector<16xi32>
            tpu.vector_store_idx %arg13[%broadcast_in_dim3A_564, %get3A_525], %broadcast_in_dim3A_14 masked %and3A_563 : memref<16x1024xf32, #tpu.memory_space<vmem>>[vector<16xi32>, vector<16xi32>], vector<16xf32>, vector<16xi1>
            %scan3A_565 = arith.constant 0 : i32
            scf.yield %scan3A_565 : i32
          }
          %scan3A_556 = arith.constant 16 : i32
        } else {
        }
        %while3A_549 = arith.constant 0 : i32
        scf.yield %while3A_549 : i32
      }
      %dma_start3A_407 = arith.constant 0 : i32
      %dma_start3A_408 = tpu.memref_slice %arg6[%add3A_384, %dma_start3A_407] : memref<16384x1024xf32, #tpu.memory_space<hbm>> -> memref<16x1024xf32, #tpu.memory_space<hbm>>
      %dma_start3A_409 = arith.constant 0 : i32
      %dma_start3A_410 = tpu.memref_slice %arg6[%add3A_384, %dma_start3A_409] : memref<16384x1024xf32, #tpu.memory_space<hbm>> -> memref<16x1024xf32, #tpu.memory_space<hbm>>
      tpu.enqueue_dma source(%arg13 : memref<16x1024xf32, #tpu.memory_space<vmem>>) target(%dma_start3A_410 : memref<16x1024xf32, #tpu.memory_space<hbm>>) target_semaphore(%arg22 : memref<!tpu.dma_semaphore, #tpu.memory_space<semaphore_mem>>)
      %mul3A_411 = arith.constant 4 : i32
      %mul3A_412 = arith.muli %mul3A_411, %scan3A_376 : i32
      %add3A_413 = arith.constant 1 : i32
      %add3A_414 = arith.addi %mul3A_412, %add3A_413 : i32
      %mul3A_415 = arith.constant 16 : i32
      %mul3A_416 = arith.muli %add3A_414, %mul3A_415 : i32
      %add3A_417 = arith.addi %mul3A_2, %mul3A_416 : i32
      %sub3A_418 = arith.constant 2 : i32
      %sub3A_419 = arith.subi %add3A_414, %sub3A_418 : i32
      %add3A_420 = arith.constant 2 : i32
      %add3A_421 = arith.addi %add3A_414, %add3A_420 : i32
      %lt3A_422 = arith.constant 32 : i32
      %lt3A_423 = arith.cmpi slt, %add3A_421, %lt3A_422 : i32
      %convert_element_type3A_424 = arith.extui %lt3A_423 : i1 to i32
      %cond3A_425 = arith.constant 0 : i32
      %cond3A_426 = arith.cmpi ne, %convert_element_type3A_424, %cond3A_425 : i32
      scf.if %cond3A_426 {
        %ge3A = arith.constant 0 : i32
        %ge3A_520 = arith.cmpi sge, %sub3A_419, %ge3A : i32
        %convert_element_type3A_521 = arith.extui %ge3A_520 : i1 to i32
        %cond3A_522 = arith.constant 0 : i32
        %cond3A_523 = arith.cmpi ne, %convert_element_type3A_521, %cond3A_522 : i32
        scf.if %cond3A_523 {
          %sub3A_530 = arith.constant 32 : i32
          %sub3A_531 = arith.subi %add3A_417, %sub3A_530 : i32
          %dma_wait3A_532 = arith.constant 0 : i32
          %dma_wait3A_533 = tpu.memref_slice %arg6[%sub3A_531, %dma_wait3A_532] : memref<16384x1024xf32, #tpu.memory_space<hbm>> -> memref<16x1024xf32, #tpu.memory_space<hbm>>
          %dma_wait3A_534 = arith.constant 0 : i32
          %dma_wait3A_535 = tpu.memref_slice %arg6[%sub3A_531, %dma_wait3A_534] : memref<16384x1024xf32, #tpu.memory_space<hbm>> -> memref<16x1024xf32, #tpu.memory_space<hbm>>
          tpu.wait_dma2 semaphore(%arg25 : memref<!tpu.dma_semaphore, #tpu.memory_space<semaphore_mem>>) src(%arg16 : memref<16x1024xf32, #tpu.memory_space<vmem>>) dst(%dma_wait3A_535 : memref<16x1024xf32, #tpu.memory_space<hbm>>)
        } else {
        }
        %add3A_524 = arith.constant 32 : i32
        %add3A_525 = arith.addi %add3A_417, %add3A_524 : i32
        %dma_start3A_526 = arith.constant 0 : i32
        %dma_start3A_527 = tpu.memref_slice %arg2[%add3A_525, %dma_start3A_526] : memref<16384x1024xf32, #tpu.memory_space<hbm>> -> memref<16x1024xf32, #tpu.memory_space<hbm>>
        %dma_start3A_528 = arith.constant 0 : i32
        %dma_start3A_529 = tpu.memref_slice %arg2[%add3A_525, %dma_start3A_528] : memref<16384x1024xf32, #tpu.memory_space<hbm>> -> memref<16x1024xf32, #tpu.memory_space<hbm>>
        tpu.enqueue_dma source(%dma_start3A_529 : memref<16x1024xf32, #tpu.memory_space<hbm>>) target(%arg16 : memref<16x1024xf32, #tpu.memory_space<vmem>>) target_semaphore(%arg21 : memref<!tpu.dma_semaphore, #tpu.memory_space<semaphore_mem>>)
      } else {
      }
      %dma_wait3A_427 = arith.constant 0 : i32
      %dma_wait3A_428 = tpu.memref_slice %arg2[%add3A_417, %dma_wait3A_427] : memref<16384x1024xf32, #tpu.memory_space<hbm>> -> memref<16x1024xf32, #tpu.memory_space<hbm>>
      %dma_wait3A_429 = arith.constant 0 : i32
      %dma_wait3A_430 = tpu.memref_slice %arg2[%add3A_417, %dma_wait3A_429] : memref<16384x1024xf32, #tpu.memory_space<hbm>> -> memref<16x1024xf32, #tpu.memory_space<hbm>>
      tpu.wait_dma2 semaphore(%arg19 : memref<!tpu.dma_semaphore, #tpu.memory_space<semaphore_mem>>) src(%dma_wait3A_430 : memref<16x1024xf32, #tpu.memory_space<hbm>>) dst(%arg14 : memref<16x1024xf32, #tpu.memory_space<vmem>>)
      %while3A_431 = arith.constant 0 : i32
      %while3A_432 = arith.constant 0 : i32
      %while3A_433 = arith.subi %select_n3A_346, %while3A_431 : i32
      %while3A_434 = arith.addi %while3A_431, %while3A_433 : i32
      %while3A_435 = arith.constant 1 : i32
      %while3A_436 = arith.divsi %while3A_433, %while3A_435 : i32
      %while3A_437 = arith.muli %while3A_436, %while3A_435 : i32
      %while3A_438 = arith.addi %while3A_431, %while3A_437 : i32
      %while3A_439 = arith.constant 1 : i32
      %while3A_440 = scf.for %while3A_520 = %while3A_431 to %while3A_438 step %while3A_439 iter_args(%while3A_521 = %while3A_432) -> (i32)  : i32 {
        %mul3A_522 = arith.constant 16 : i32
        %mul3A_523 = arith.muli %while3A_520, %mul3A_522 : i32
        %get3A_524 = arith.index_cast %mul3A_523 : i32 to index
        %get3A_525 = tpu.vector_load %arg10[%get3A_524] {strides = array<i32>} : memref<144xi32, #tpu.memory_space<vmem>>, vector<16xi32>,
        %mul3A_526 = arith.constant 16 : i32
        %mul3A_527 = arith.muli %while3A_520, %mul3A_526 : i32
        %get3A_528 = arith.index_cast %mul3A_527 : i32 to index
        %get3A_529 = tpu.vector_load %arg11[%get3A_528] {strides = array<i32>} : memref<144xi32, #tpu.memory_space<vmem>>, vector<16xi32>,
        %mul3A_530 = arith.constant 16 : i32
        %mul3A_531 = arith.muli %while3A_520, %mul3A_530 : i32
        %get3A_532 = arith.index_cast %mul3A_531 : i32 to index
        %get3A_533 = tpu.vector_load %arg12[%get3A_532] {strides = array<i32>} : memref<144xi32, #tpu.memory_space<vmem>>, vector<16xi32>,
        %add3A_534 = arith.constant 16 : i32
        %add3A_535 = arith.addi %add3A_417, %add3A_534 : i32
        %lt3A_536 = vector.broadcast %add3A_535 : i32 to vector<16xi32>
        %lt3A_537 = arith.cmpi slt, %get3A_529, %lt3A_536 : vector<16xi32>
        %gt3A_538 = vector.broadcast %add3A_417 : i32 to vector<16xi32>
        %gt3A_539 = arith.cmpi sgt, %get3A_533, %gt3A_538 : vector<16xi32>
        %and3A_540 = arith.andi %lt3A_537, %gt3A_539 : vector<16xi1>
        %all_reduce_population_count3A_541 = tpu.all_reduce %and3A_540 {dim = 0 : i64, kind = #tpu.reduction_kind<sum>} : vector<16xi1> -> vector<16xi32>
        %slice3A_542 = vector.extract_strided_slice %all_reduce_population_count3A_541 {offsets = [0], sizes = [1], strides = [1]} : vector<16xi32> to vector<1xi32>
        %squeeze3A_543 = vector.extract %slice3A_542[0] : i32 from vector<1xi32>
        %gt3A_544 = arith.constant 0 : i32
        %gt3A_545 = arith.cmpi sgt, %squeeze3A_543, %gt3A_544 : i32
        %convert_element_type3A_546 = arith.extui %gt3A_545 : i1 to i32
        %cond3A_547 = arith.constant 0 : i32
        %cond3A_548 = arith.cmpi ne, %convert_element_type3A_546, %cond3A_547 : i32
        scf.if %cond3A_548 {
          %scan3A_550 = arith.constant 0 : i32
          %scan3A_551 = arith.constant 0 : i32
          %scan3A_552 = arith.constant 16 : i32
          %scan3A_553 = arith.addi %scan3A_551, %scan3A_552 : i32
          %scan3A_554 = arith.constant 1 : i32
          %scan3A_555 = scf.for %scan3A_557 = %scan3A_551 to %scan3A_553 step %scan3A_554 iter_args(%scan3A_558 = %scan3A_550) -> (i32)  : i32 {
            %add3A_559 = arith.addi %add3A_417, %scan3A_557 : i32
            %ge3A = vector.broadcast %add3A_559 : i32 to vector<16xi32>
            %ge3A_560 = arith.cmpi sge, %ge3A, %get3A_529 : vector<16xi32>
            %lt3A_561 = vector.broadcast %add3A_559 : i32 to vector<16xi32>
            %lt3A_562 = arith.cmpi slt, %lt3A_561, %get3A_533 : vector<16xi32>
            %and3A_563 = arith.andi %ge3A_560, %lt3A_562 : vector<16xi1>
            %broadcast_in_dim3A_564 = vector.broadcast %scan3A_557 : i32 to vector<16xi32>
            tpu.vector_store_idx %arg14[%broadcast_in_dim3A_564, %get3A_525], %broadcast_in_dim3A_14 masked %and3A_563 : memref<16x1024xf32, #tpu.memory_space<vmem>>[vector<16xi32>, vector<16xi32>], vector<16xf32>, vector<16xi1>
            %scan3A_565 = arith.constant 0 : i32
            scf.yield %scan3A_565 : i32
          }
          %scan3A_556 = arith.constant 16 : i32
        } else {
        }
        %while3A_549 = arith.constant 0 : i32
        scf.yield %while3A_549 : i32
      }
      %while3A_441 = arith.constant 1 : i32
      %while3A_442 = scf.for %while3A_520 = %while3A_438 to %while3A_434 step %while3A_441 iter_args(%while3A_521 = %while3A_440) -> (i32)  : i32 {
        %mul3A_522 = arith.constant 16 : i32
        %mul3A_523 = arith.muli %while3A_520, %mul3A_522 : i32
        %get3A_524 = arith.index_cast %mul3A_523 : i32 to index
        %get3A_525 = tpu.vector_load %arg10[%get3A_524] {strides = array<i32>} : memref<144xi32, #tpu.memory_space<vmem>>, vector<16xi32>,
        %mul3A_526 = arith.constant 16 : i32
        %mul3A_527 = arith.muli %while3A_520, %mul3A_526 : i32
        %get3A_528 = arith.index_cast %mul3A_527 : i32 to index
        %get3A_529 = tpu.vector_load %arg11[%get3A_528] {strides = array<i32>} : memref<144xi32, #tpu.memory_space<vmem>>, vector<16xi32>,
        %mul3A_530 = arith.constant 16 : i32
        %mul3A_531 = arith.muli %while3A_520, %mul3A_530 : i32
        %get3A_532 = arith.index_cast %mul3A_531 : i32 to index
        %get3A_533 = tpu.vector_load %arg12[%get3A_532] {strides = array<i32>} : memref<144xi32, #tpu.memory_space<vmem>>, vector<16xi32>,
        %add3A_534 = arith.constant 16 : i32
        %add3A_535 = arith.addi %add3A_417, %add3A_534 : i32
        %lt3A_536 = vector.broadcast %add3A_535 : i32 to vector<16xi32>
        %lt3A_537 = arith.cmpi slt, %get3A_529, %lt3A_536 : vector<16xi32>
        %gt3A_538 = vector.broadcast %add3A_417 : i32 to vector<16xi32>
        %gt3A_539 = arith.cmpi sgt, %get3A_533, %gt3A_538 : vector<16xi32>
        %and3A_540 = arith.andi %lt3A_537, %gt3A_539 : vector<16xi1>
        %all_reduce_population_count3A_541 = tpu.all_reduce %and3A_540 {dim = 0 : i64, kind = #tpu.reduction_kind<sum>} : vector<16xi1> -> vector<16xi32>
        %slice3A_542 = vector.extract_strided_slice %all_reduce_population_count3A_541 {offsets = [0], sizes = [1], strides = [1]} : vector<16xi32> to vector<1xi32>
        %squeeze3A_543 = vector.extract %slice3A_542[0] : i32 from vector<1xi32>
        %gt3A_544 = arith.constant 0 : i32
        %gt3A_545 = arith.cmpi sgt, %squeeze3A_543, %gt3A_544 : i32
        %convert_element_type3A_546 = arith.extui %gt3A_545 : i1 to i32
        %cond3A_547 = arith.constant 0 : i32
        %cond3A_548 = arith.cmpi ne, %convert_element_type3A_546, %cond3A_547 : i32
        scf.if %cond3A_548 {
          %scan3A_550 = arith.constant 0 : i32
          %scan3A_551 = arith.constant 0 : i32
          %scan3A_552 = arith.constant 16 : i32
          %scan3A_553 = arith.addi %scan3A_551, %scan3A_552 : i32
          %scan3A_554 = arith.constant 1 : i32
          %scan3A_555 = scf.for %scan3A_557 = %scan3A_551 to %scan3A_553 step %scan3A_554 iter_args(%scan3A_558 = %scan3A_550) -> (i32)  : i32 {
            %add3A_559 = arith.addi %add3A_417, %scan3A_557 : i32
            %ge3A = vector.broadcast %add3A_559 : i32 to vector<16xi32>
            %ge3A_560 = arith.cmpi sge, %ge3A, %get3A_529 : vector<16xi32>
            %lt3A_561 = vector.broadcast %add3A_559 : i32 to vector<16xi32>
            %lt3A_562 = arith.cmpi slt, %lt3A_561, %get3A_533 : vector<16xi32>
            %and3A_563 = arith.andi %ge3A_560, %lt3A_562 : vector<16xi1>
            %broadcast_in_dim3A_564 = vector.broadcast %scan3A_557 : i32 to vector<16xi32>
            tpu.vector_store_idx %arg14[%broadcast_in_dim3A_564, %get3A_525], %broadcast_in_dim3A_14 masked %and3A_563 : memref<16x1024xf32, #tpu.memory_space<vmem>>[vector<16xi32>, vector<16xi32>], vector<16xf32>, vector<16xi1>
            %scan3A_565 = arith.constant 0 : i32
            scf.yield %scan3A_565 : i32
          }
          %scan3A_556 = arith.constant 16 : i32
        } else {
        }
        %while3A_549 = arith.constant 0 : i32
        scf.yield %while3A_549 : i32
      }
      %dma_start3A_443 = arith.constant 0 : i32
      %dma_start3A_444 = tpu.memref_slice %arg6[%add3A_417, %dma_start3A_443] : memref<16384x1024xf32, #tpu.memory_space<hbm>> -> memref<16x1024xf32, #tpu.memory_space<hbm>>
      %dma_start3A_445 = arith.constant 0 : i32
      %dma_start3A_446 = tpu.memref_slice %arg6[%add3A_417, %dma_start3A_445] : memref<16384x1024xf32, #tpu.memory_space<hbm>> -> memref<16x1024xf32, #tpu.memory_space<hbm>>
      tpu.enqueue_dma source(%arg14 : memref<16x1024xf32, #tpu.memory_space<vmem>>) target(%dma_start3A_446 : memref<16x1024xf32, #tpu.memory_space<hbm>>) target_semaphore(%arg23 : memref<!tpu.dma_semaphore, #tpu.memory_space<semaphore_mem>>)
      %mul3A_447 = arith.constant 4 : i32
      %mul3A_448 = arith.muli %mul3A_447, %scan3A_376 : i32
      %add3A_449 = arith.constant 2 : i32
      %add3A_450 = arith.addi %mul3A_448, %add3A_449 : i32
      %mul3A_451 = arith.constant 16 : i32
      %mul3A_452 = arith.muli %add3A_450, %mul3A_451 : i32
      %add3A_453 = arith.addi %mul3A_2, %mul3A_452 : i32
      %sub3A_454 = arith.constant 2 : i32
      %sub3A_455 = arith.subi %add3A_450, %sub3A_454 : i32
      %add3A_456 = arith.constant 2 : i32
      %add3A_457 = arith.addi %add3A_450, %add3A_456 : i32
      %lt3A_458 = arith.constant 32 : i32
      %lt3A_459 = arith.cmpi slt, %add3A_457, %lt3A_458 : i32
      %convert_element_type3A_460 = arith.extui %lt3A_459 : i1 to i32
      %cond3A_461 = arith.constant 0 : i32
      %cond3A_462 = arith.cmpi ne, %convert_element_type3A_460, %cond3A_461 : i32
      scf.if %cond3A_462 {
        %ge3A = arith.constant 0 : i32
        %ge3A_520 = arith.cmpi sge, %sub3A_455, %ge3A : i32
        %convert_element_type3A_521 = arith.extui %ge3A_520 : i1 to i32
        %cond3A_522 = arith.constant 0 : i32
        %cond3A_523 = arith.cmpi ne, %convert_element_type3A_521, %cond3A_522 : i32
        scf.if %cond3A_523 {
          %sub3A_530 = arith.constant 32 : i32
          %sub3A_531 = arith.subi %add3A_453, %sub3A_530 : i32
          %dma_wait3A_532 = arith.constant 0 : i32
          %dma_wait3A_533 = tpu.memref_slice %arg6[%sub3A_531, %dma_wait3A_532] : memref<16384x1024xf32, #tpu.memory_space<hbm>> -> memref<16x1024xf32, #tpu.memory_space<hbm>>
          %dma_wait3A_534 = arith.constant 0 : i32
          %dma_wait3A_535 = tpu.memref_slice %arg6[%sub3A_531, %dma_wait3A_534] : memref<16384x1024xf32, #tpu.memory_space<hbm>> -> memref<16x1024xf32, #tpu.memory_space<hbm>>
          tpu.wait_dma2 semaphore(%arg22 : memref<!tpu.dma_semaphore, #tpu.memory_space<semaphore_mem>>) src(%arg13 : memref<16x1024xf32, #tpu.memory_space<vmem>>) dst(%dma_wait3A_535 : memref<16x1024xf32, #tpu.memory_space<hbm>>)
        } else {
        }
        %add3A_524 = arith.constant 32 : i32
        %add3A_525 = arith.addi %add3A_453, %add3A_524 : i32
        %dma_start3A_526 = arith.constant 0 : i32
        %dma_start3A_527 = tpu.memref_slice %arg2[%add3A_525, %dma_start3A_526] : memref<16384x1024xf32, #tpu.memory_space<hbm>> -> memref<16x1024xf32, #tpu.memory_space<hbm>>
        %dma_start3A_528 = arith.constant 0 : i32
        %dma_start3A_529 = tpu.memref_slice %arg2[%add3A_525, %dma_start3A_528] : memref<16384x1024xf32, #tpu.memory_space<hbm>> -> memref<16x1024xf32, #tpu.memory_space<hbm>>
        tpu.enqueue_dma source(%dma_start3A_529 : memref<16x1024xf32, #tpu.memory_space<hbm>>) target(%arg13 : memref<16x1024xf32, #tpu.memory_space<vmem>>) target_semaphore(%arg18 : memref<!tpu.dma_semaphore, #tpu.memory_space<semaphore_mem>>)
      } else {
      }
      %dma_wait3A_463 = arith.constant 0 : i32
      %dma_wait3A_464 = tpu.memref_slice %arg2[%add3A_453, %dma_wait3A_463] : memref<16384x1024xf32, #tpu.memory_space<hbm>> -> memref<16x1024xf32, #tpu.memory_space<hbm>>
      %dma_wait3A_465 = arith.constant 0 : i32
      %dma_wait3A_466 = tpu.memref_slice %arg2[%add3A_453, %dma_wait3A_465] : memref<16384x1024xf32, #tpu.memory_space<hbm>> -> memref<16x1024xf32, #tpu.memory_space<hbm>>
      tpu.wait_dma2 semaphore(%arg20 : memref<!tpu.dma_semaphore, #tpu.memory_space<semaphore_mem>>) src(%dma_wait3A_466 : memref<16x1024xf32, #tpu.memory_space<hbm>>) dst(%arg15 : memref<16x1024xf32, #tpu.memory_space<vmem>>)
      %while3A_467 = arith.constant 0 : i32
      %while3A_468 = arith.constant 0 : i32
      %while3A_469 = arith.subi %select_n3A_346, %while3A_467 : i32
      %while3A_470 = arith.addi %while3A_467, %while3A_469 : i32
      %while3A_471 = arith.constant 1 : i32
      %while3A_472 = arith.divsi %while3A_469, %while3A_471 : i32
      %while3A_473 = arith.muli %while3A_472, %while3A_471 : i32
      %while3A_474 = arith.addi %while3A_467, %while3A_473 : i32
      %while3A_475 = arith.constant 1 : i32
      %while3A_476 = scf.for %while3A_520 = %while3A_467 to %while3A_474 step %while3A_475 iter_args(%while3A_521 = %while3A_468) -> (i32)  : i32 {
        %mul3A_522 = arith.constant 16 : i32
        %mul3A_523 = arith.muli %while3A_520, %mul3A_522 : i32
        %get3A_524 = arith.index_cast %mul3A_523 : i32 to index
        %get3A_525 = tpu.vector_load %arg10[%get3A_524] {strides = array<i32>} : memref<144xi32, #tpu.memory_space<vmem>>, vector<16xi32>,
        %mul3A_526 = arith.constant 16 : i32
        %mul3A_527 = arith.muli %while3A_520, %mul3A_526 : i32
        %get3A_528 = arith.index_cast %mul3A_527 : i32 to index
        %get3A_529 = tpu.vector_load %arg11[%get3A_528] {strides = array<i32>} : memref<144xi32, #tpu.memory_space<vmem>>, vector<16xi32>,
        %mul3A_530 = arith.constant 16 : i32
        %mul3A_531 = arith.muli %while3A_520, %mul3A_530 : i32
        %get3A_532 = arith.index_cast %mul3A_531 : i32 to index
        %get3A_533 = tpu.vector_load %arg12[%get3A_532] {strides = array<i32>} : memref<144xi32, #tpu.memory_space<vmem>>, vector<16xi32>,
        %add3A_534 = arith.constant 16 : i32
        %add3A_535 = arith.addi %add3A_453, %add3A_534 : i32
        %lt3A_536 = vector.broadcast %add3A_535 : i32 to vector<16xi32>
        %lt3A_537 = arith.cmpi slt, %get3A_529, %lt3A_536 : vector<16xi32>
        %gt3A_538 = vector.broadcast %add3A_453 : i32 to vector<16xi32>
        %gt3A_539 = arith.cmpi sgt, %get3A_533, %gt3A_538 : vector<16xi32>
        %and3A_540 = arith.andi %lt3A_537, %gt3A_539 : vector<16xi1>
        %all_reduce_population_count3A_541 = tpu.all_reduce %and3A_540 {dim = 0 : i64, kind = #tpu.reduction_kind<sum>} : vector<16xi1> -> vector<16xi32>
        %slice3A_542 = vector.extract_strided_slice %all_reduce_population_count3A_541 {offsets = [0], sizes = [1], strides = [1]} : vector<16xi32> to vector<1xi32>
        %squeeze3A_543 = vector.extract %slice3A_542[0] : i32 from vector<1xi32>
        %gt3A_544 = arith.constant 0 : i32
        %gt3A_545 = arith.cmpi sgt, %squeeze3A_543, %gt3A_544 : i32
        %convert_element_type3A_546 = arith.extui %gt3A_545 : i1 to i32
        %cond3A_547 = arith.constant 0 : i32
        %cond3A_548 = arith.cmpi ne, %convert_element_type3A_546, %cond3A_547 : i32
        scf.if %cond3A_548 {
          %scan3A_550 = arith.constant 0 : i32
          %scan3A_551 = arith.constant 0 : i32
          %scan3A_552 = arith.constant 16 : i32
          %scan3A_553 = arith.addi %scan3A_551, %scan3A_552 : i32
          %scan3A_554 = arith.constant 1 : i32
          %scan3A_555 = scf.for %scan3A_557 = %scan3A_551 to %scan3A_553 step %scan3A_554 iter_args(%scan3A_558 = %scan3A_550) -> (i32)  : i32 {
            %add3A_559 = arith.addi %add3A_453, %scan3A_557 : i32
            %ge3A = vector.broadcast %add3A_559 : i32 to vector<16xi32>
            %ge3A_560 = arith.cmpi sge, %ge3A, %get3A_529 : vector<16xi32>
            %lt3A_561 = vector.broadcast %add3A_559 : i32 to vector<16xi32>
            %lt3A_562 = arith.cmpi slt, %lt3A_561, %get3A_533 : vector<16xi32>
            %and3A_563 = arith.andi %ge3A_560, %lt3A_562 : vector<16xi1>
            %broadcast_in_dim3A_564 = vector.broadcast %scan3A_557 : i32 to vector<16xi32>
            tpu.vector_store_idx %arg15[%broadcast_in_dim3A_564, %get3A_525], %broadcast_in_dim3A_14 masked %and3A_563 : memref<16x1024xf32, #tpu.memory_space<vmem>>[vector<16xi32>, vector<16xi32>], vector<16xf32>, vector<16xi1>
            %scan3A_565 = arith.constant 0 : i32
            scf.yield %scan3A_565 : i32
          }
          %scan3A_556 = arith.constant 16 : i32
        } else {
        }
        %while3A_549 = arith.constant 0 : i32
        scf.yield %while3A_549 : i32
      }
      %while3A_477 = arith.constant 1 : i32
      %while3A_478 = scf.for %while3A_520 = %while3A_474 to %while3A_470 step %while3A_477 iter_args(%while3A_521 = %while3A_476) -> (i32)  : i32 {
        %mul3A_522 = arith.constant 16 : i32
        %mul3A_523 = arith.muli %while3A_520, %mul3A_522 : i32
        %get3A_524 = arith.index_cast %mul3A_523 : i32 to index
        %get3A_525 = tpu.vector_load %arg10[%get3A_524] {strides = array<i32>} : memref<144xi32, #tpu.memory_space<vmem>>, vector<16xi32>,
        %mul3A_526 = arith.constant 16 : i32
        %mul3A_527 = arith.muli %while3A_520, %mul3A_526 : i32
        %get3A_528 = arith.index_cast %mul3A_527 : i32 to index
        %get3A_529 = tpu.vector_load %arg11[%get3A_528] {strides = array<i32>} : memref<144xi32, #tpu.memory_space<vmem>>, vector<16xi32>,
        %mul3A_530 = arith.constant 16 : i32
        %mul3A_531 = arith.muli %while3A_520, %mul3A_530 : i32
        %get3A_532 = arith.index_cast %mul3A_531 : i32 to index
        %get3A_533 = tpu.vector_load %arg12[%get3A_532] {strides = array<i32>} : memref<144xi32, #tpu.memory_space<vmem>>, vector<16xi32>,
        %add3A_534 = arith.constant 16 : i32
        %add3A_535 = arith.addi %add3A_453, %add3A_534 : i32
        %lt3A_536 = vector.broadcast %add3A_535 : i32 to vector<16xi32>
        %lt3A_537 = arith.cmpi slt, %get3A_529, %lt3A_536 : vector<16xi32>
        %gt3A_538 = vector.broadcast %add3A_453 : i32 to vector<16xi32>
        %gt3A_539 = arith.cmpi sgt, %get3A_533, %gt3A_538 : vector<16xi32>
        %and3A_540 = arith.andi %lt3A_537, %gt3A_539 : vector<16xi1>
        %all_reduce_population_count3A_541 = tpu.all_reduce %and3A_540 {dim = 0 : i64, kind = #tpu.reduction_kind<sum>} : vector<16xi1> -> vector<16xi32>
        %slice3A_542 = vector.extract_strided_slice %all_reduce_population_count3A_541 {offsets = [0], sizes = [1], strides = [1]} : vector<16xi32> to vector<1xi32>
        %squeeze3A_543 = vector.extract %slice3A_542[0] : i32 from vector<1xi32>
        %gt3A_544 = arith.constant 0 : i32
        %gt3A_545 = arith.cmpi sgt, %squeeze3A_543, %gt3A_544 : i32
        %convert_element_type3A_546 = arith.extui %gt3A_545 : i1 to i32
        %cond3A_547 = arith.constant 0 : i32
        %cond3A_548 = arith.cmpi ne, %convert_element_type3A_546, %cond3A_547 : i32
        scf.if %cond3A_548 {
          %scan3A_550 = arith.constant 0 : i32
          %scan3A_551 = arith.constant 0 : i32
          %scan3A_552 = arith.constant 16 : i32
          %scan3A_553 = arith.addi %scan3A_551, %scan3A_552 : i32
          %scan3A_554 = arith.constant 1 : i32
          %scan3A_555 = scf.for %scan3A_557 = %scan3A_551 to %scan3A_553 step %scan3A_554 iter_args(%scan3A_558 = %scan3A_550) -> (i32)  : i32 {
            %add3A_559 = arith.addi %add3A_453, %scan3A_557 : i32
            %ge3A = vector.broadcast %add3A_559 : i32 to vector<16xi32>
            %ge3A_560 = arith.cmpi sge, %ge3A, %get3A_529 : vector<16xi32>
            %lt3A_561 = vector.broadcast %add3A_559 : i32 to vector<16xi32>
            %lt3A_562 = arith.cmpi slt, %lt3A_561, %get3A_533 : vector<16xi32>
            %and3A_563 = arith.andi %ge3A_560, %lt3A_562 : vector<16xi1>
            %broadcast_in_dim3A_564 = vector.broadcast %scan3A_557 : i32 to vector<16xi32>
            tpu.vector_store_idx %arg15[%broadcast_in_dim3A_564, %get3A_525], %broadcast_in_dim3A_14 masked %and3A_563 : memref<16x1024xf32, #tpu.memory_space<vmem>>[vector<16xi32>, vector<16xi32>], vector<16xf32>, vector<16xi1>
            %scan3A_565 = arith.constant 0 : i32
            scf.yield %scan3A_565 : i32
          }
          %scan3A_556 = arith.constant 16 : i32
        } else {
        }
        %while3A_549 = arith.constant 0 : i32
        scf.yield %while3A_549 : i32
      }
      %dma_start3A_479 = arith.constant 0 : i32
      %dma_start3A_480 = tpu.memref_slice %arg6[%add3A_453, %dma_start3A_479] : memref<16384x1024xf32, #tpu.memory_space<hbm>> -> memref<16x1024xf32, #tpu.memory_space<hbm>>
      %dma_start3A_481 = arith.constant 0 : i32
      %dma_start3A_482 = tpu.memref_slice %arg6[%add3A_453, %dma_start3A_481] : memref<16384x1024xf32, #tpu.memory_space<hbm>> -> memref<16x1024xf32, #tpu.memory_space<hbm>>
      tpu.enqueue_dma source(%arg15 : memref<16x1024xf32, #tpu.memory_space<vmem>>) target(%dma_start3A_482 : memref<16x1024xf32, #tpu.memory_space<hbm>>) target_semaphore(%arg24 : memref<!tpu.dma_semaphore, #tpu.memory_space<semaphore_mem>>)
      %mul3A_483 = arith.constant 4 : i32
      %mul3A_484 = arith.muli %mul3A_483, %scan3A_376 : i32
      %add3A_485 = arith.constant 3 : i32
      %add3A_486 = arith.addi %mul3A_484, %add3A_485 : i32
      %mul3A_487 = arith.constant 16 : i32
      %mul3A_488 = arith.muli %add3A_486, %mul3A_487 : i32
      %add3A_489 = arith.addi %mul3A_2, %mul3A_488 : i32
      %sub3A_490 = arith.constant 2 : i32
      %sub3A_491 = arith.subi %add3A_486, %sub3A_490 : i32
      %add3A_492 = arith.constant 2 : i32
      %add3A_493 = arith.addi %add3A_486, %add3A_492 : i32
      %lt3A_494 = arith.constant 32 : i32
      %lt3A_495 = arith.cmpi slt, %add3A_493, %lt3A_494 : i32
      %convert_element_type3A_496 = arith.extui %lt3A_495 : i1 to i32
      %cond3A_497 = arith.constant 0 : i32
      %cond3A_498 = arith.cmpi ne, %convert_element_type3A_496, %cond3A_497 : i32
      scf.if %cond3A_498 {
        %ge3A = arith.constant 0 : i32
        %ge3A_520 = arith.cmpi sge, %sub3A_491, %ge3A : i32
        %convert_element_type3A_521 = arith.extui %ge3A_520 : i1 to i32
        %cond3A_522 = arith.constant 0 : i32
        %cond3A_523 = arith.cmpi ne, %convert_element_type3A_521, %cond3A_522 : i32
        scf.if %cond3A_523 {
          %sub3A_530 = arith.constant 32 : i32
          %sub3A_531 = arith.subi %add3A_489, %sub3A_530 : i32
          %dma_wait3A_532 = arith.constant 0 : i32
          %dma_wait3A_533 = tpu.memref_slice %arg6[%sub3A_531, %dma_wait3A_532] : memref<16384x1024xf32, #tpu.memory_space<hbm>> -> memref<16x1024xf32, #tpu.memory_space<hbm>>
          %dma_wait3A_534 = arith.constant 0 : i32
          %dma_wait3A_535 = tpu.memref_slice %arg6[%sub3A_531, %dma_wait3A_534] : memref<16384x1024xf32, #tpu.memory_space<hbm>> -> memref<16x1024xf32, #tpu.memory_space<hbm>>
          tpu.wait_dma2 semaphore(%arg23 : memref<!tpu.dma_semaphore, #tpu.memory_space<semaphore_mem>>) src(%arg14 : memref<16x1024xf32, #tpu.memory_space<vmem>>) dst(%dma_wait3A_535 : memref<16x1024xf32, #tpu.memory_space<hbm>>)
        } else {
        }
        %add3A_524 = arith.constant 32 : i32
        %add3A_525 = arith.addi %add3A_489, %add3A_524 : i32
        %dma_start3A_526 = arith.constant 0 : i32
        %dma_start3A_527 = tpu.memref_slice %arg2[%add3A_525, %dma_start3A_526] : memref<16384x1024xf32, #tpu.memory_space<hbm>> -> memref<16x1024xf32, #tpu.memory_space<hbm>>
        %dma_start3A_528 = arith.constant 0 : i32
        %dma_start3A_529 = tpu.memref_slice %arg2[%add3A_525, %dma_start3A_528] : memref<16384x1024xf32, #tpu.memory_space<hbm>> -> memref<16x1024xf32, #tpu.memory_space<hbm>>
        tpu.enqueue_dma source(%dma_start3A_529 : memref<16x1024xf32, #tpu.memory_space<hbm>>) target(%arg14 : memref<16x1024xf32, #tpu.memory_space<vmem>>) target_semaphore(%arg19 : memref<!tpu.dma_semaphore, #tpu.memory_space<semaphore_mem>>)
      } else {
      }
      %dma_wait3A_499 = arith.constant 0 : i32
      %dma_wait3A_500 = tpu.memref_slice %arg2[%add3A_489, %dma_wait3A_499] : memref<16384x1024xf32, #tpu.memory_space<hbm>> -> memref<16x1024xf32, #tpu.memory_space<hbm>>
      %dma_wait3A_501 = arith.constant 0 : i32
      %dma_wait3A_502 = tpu.memref_slice %arg2[%add3A_489, %dma_wait3A_501] : memref<16384x1024xf32, #tpu.memory_space<hbm>> -> memref<16x1024xf32, #tpu.memory_space<hbm>>
      tpu.wait_dma2 semaphore(%arg21 : memref<!tpu.dma_semaphore, #tpu.memory_space<semaphore_mem>>) src(%dma_wait3A_502 : memref<16x1024xf32, #tpu.memory_space<hbm>>) dst(%arg16 : memref<16x1024xf32, #tpu.memory_space<vmem>>)
      %while3A_503 = arith.constant 0 : i32
      %while3A_504 = arith.constant 0 : i32
      %while3A_505 = arith.subi %select_n3A_346, %while3A_503 : i32
      %while3A_506 = arith.addi %while3A_503, %while3A_505 : i32
      %while3A_507 = arith.constant 1 : i32
      %while3A_508 = arith.divsi %while3A_505, %while3A_507 : i32
      %while3A_509 = arith.muli %while3A_508, %while3A_507 : i32
      %while3A_510 = arith.addi %while3A_503, %while3A_509 : i32
      %while3A_511 = arith.constant 1 : i32
      %while3A_512 = scf.for %while3A_520 = %while3A_503 to %while3A_510 step %while3A_511 iter_args(%while3A_521 = %while3A_504) -> (i32)  : i32 {
        %mul3A_522 = arith.constant 16 : i32
        %mul3A_523 = arith.muli %while3A_520, %mul3A_522 : i32
        %get3A_524 = arith.index_cast %mul3A_523 : i32 to index
        %get3A_525 = tpu.vector_load %arg10[%get3A_524] {strides = array<i32>} : memref<144xi32, #tpu.memory_space<vmem>>, vector<16xi32>,
        %mul3A_526 = arith.constant 16 : i32
        %mul3A_527 = arith.muli %while3A_520, %mul3A_526 : i32
        %get3A_528 = arith.index_cast %mul3A_527 : i32 to index
        %get3A_529 = tpu.vector_load %arg11[%get3A_528] {strides = array<i32>} : memref<144xi32, #tpu.memory_space<vmem>>, vector<16xi32>,
        %mul3A_530 = arith.constant 16 : i32
        %mul3A_531 = arith.muli %while3A_520, %mul3A_530 : i32
        %get3A_532 = arith.index_cast %mul3A_531 : i32 to index
        %get3A_533 = tpu.vector_load %arg12[%get3A_532] {strides = array<i32>} : memref<144xi32, #tpu.memory_space<vmem>>, vector<16xi32>,
        %add3A_534 = arith.constant 16 : i32
        %add3A_535 = arith.addi %add3A_489, %add3A_534 : i32
        %lt3A_536 = vector.broadcast %add3A_535 : i32 to vector<16xi32>
        %lt3A_537 = arith.cmpi slt, %get3A_529, %lt3A_536 : vector<16xi32>
        %gt3A_538 = vector.broadcast %add3A_489 : i32 to vector<16xi32>
        %gt3A_539 = arith.cmpi sgt, %get3A_533, %gt3A_538 : vector<16xi32>
        %and3A_540 = arith.andi %lt3A_537, %gt3A_539 : vector<16xi1>
        %all_reduce_population_count3A_541 = tpu.all_reduce %and3A_540 {dim = 0 : i64, kind = #tpu.reduction_kind<sum>} : vector<16xi1> -> vector<16xi32>
        %slice3A_542 = vector.extract_strided_slice %all_reduce_population_count3A_541 {offsets = [0], sizes = [1], strides = [1]} : vector<16xi32> to vector<1xi32>
        %squeeze3A_543 = vector.extract %slice3A_542[0] : i32 from vector<1xi32>
        %gt3A_544 = arith.constant 0 : i32
        %gt3A_545 = arith.cmpi sgt, %squeeze3A_543, %gt3A_544 : i32
        %convert_element_type3A_546 = arith.extui %gt3A_545 : i1 to i32
        %cond3A_547 = arith.constant 0 : i32
        %cond3A_548 = arith.cmpi ne, %convert_element_type3A_546, %cond3A_547 : i32
        scf.if %cond3A_548 {
          %scan3A_550 = arith.constant 0 : i32
          %scan3A_551 = arith.constant 0 : i32
          %scan3A_552 = arith.constant 16 : i32
          %scan3A_553 = arith.addi %scan3A_551, %scan3A_552 : i32
          %scan3A_554 = arith.constant 1 : i32
          %scan3A_555 = scf.for %scan3A_557 = %scan3A_551 to %scan3A_553 step %scan3A_554 iter_args(%scan3A_558 = %scan3A_550) -> (i32)  : i32 {
            %add3A_559 = arith.addi %add3A_489, %scan3A_557 : i32
            %ge3A = vector.broadcast %add3A_559 : i32 to vector<16xi32>
            %ge3A_560 = arith.cmpi sge, %ge3A, %get3A_529 : vector<16xi32>
            %lt3A_561 = vector.broadcast %add3A_559 : i32 to vector<16xi32>
            %lt3A_562 = arith.cmpi slt, %lt3A_561, %get3A_533 : vector<16xi32>
            %and3A_563 = arith.andi %ge3A_560, %lt3A_562 : vector<16xi1>
            %broadcast_in_dim3A_564 = vector.broadcast %scan3A_557 : i32 to vector<16xi32>
            tpu.vector_store_idx %arg16[%broadcast_in_dim3A_564, %get3A_525], %broadcast_in_dim3A_14 masked %and3A_563 : memref<16x1024xf32, #tpu.memory_space<vmem>>[vector<16xi32>, vector<16xi32>], vector<16xf32>, vector<16xi1>
            %scan3A_565 = arith.constant 0 : i32
            scf.yield %scan3A_565 : i32
          }
          %scan3A_556 = arith.constant 16 : i32
        } else {
        }
        %while3A_549 = arith.constant 0 : i32
        scf.yield %while3A_549 : i32
      }
      %while3A_513 = arith.constant 1 : i32
      %while3A_514 = scf.for %while3A_520 = %while3A_510 to %while3A_506 step %while3A_513 iter_args(%while3A_521 = %while3A_512) -> (i32)  : i32 {
        %mul3A_522 = arith.constant 16 : i32
        %mul3A_523 = arith.muli %while3A_520, %mul3A_522 : i32
        %get3A_524 = arith.index_cast %mul3A_523 : i32 to index
        %get3A_525 = tpu.vector_load %arg10[%get3A_524] {strides = array<i32>} : memref<144xi32, #tpu.memory_space<vmem>>, vector<16xi32>,
        %mul3A_526 = arith.constant 16 : i32
        %mul3A_527 = arith.muli %while3A_520, %mul3A_526 : i32
        %get3A_528 = arith.index_cast %mul3A_527 : i32 to index
        %get3A_529 = tpu.vector_load %arg11[%get3A_528] {strides = array<i32>} : memref<144xi32, #tpu.memory_space<vmem>>, vector<16xi32>,
        %mul3A_530 = arith.constant 16 : i32
        %mul3A_531 = arith.muli %while3A_520, %mul3A_530 : i32
        %get3A_532 = arith.index_cast %mul3A_531 : i32 to index
        %get3A_533 = tpu.vector_load %arg12[%get3A_532] {strides = array<i32>} : memref<144xi32, #tpu.memory_space<vmem>>, vector<16xi32>,
        %add3A_534 = arith.constant 16 : i32
        %add3A_535 = arith.addi %add3A_489, %add3A_534 : i32
        %lt3A_536 = vector.broadcast %add3A_535 : i32 to vector<16xi32>
        %lt3A_537 = arith.cmpi slt, %get3A_529, %lt3A_536 : vector<16xi32>
        %gt3A_538 = vector.broadcast %add3A_489 : i32 to vector<16xi32>
        %gt3A_539 = arith.cmpi sgt, %get3A_533, %gt3A_538 : vector<16xi32>
        %and3A_540 = arith.andi %lt3A_537, %gt3A_539 : vector<16xi1>
        %all_reduce_population_count3A_541 = tpu.all_reduce %and3A_540 {dim = 0 : i64, kind = #tpu.reduction_kind<sum>} : vector<16xi1> -> vector<16xi32>
        %slice3A_542 = vector.extract_strided_slice %all_reduce_population_count3A_541 {offsets = [0], sizes = [1], strides = [1]} : vector<16xi32> to vector<1xi32>
        %squeeze3A_543 = vector.extract %slice3A_542[0] : i32 from vector<1xi32>
        %gt3A_544 = arith.constant 0 : i32
        %gt3A_545 = arith.cmpi sgt, %squeeze3A_543, %gt3A_544 : i32
        %convert_element_type3A_546 = arith.extui %gt3A_545 : i1 to i32
        %cond3A_547 = arith.constant 0 : i32
        %cond3A_548 = arith.cmpi ne, %convert_element_type3A_546, %cond3A_547 : i32
        scf.if %cond3A_548 {
          %scan3A_550 = arith.constant 0 : i32
          %scan3A_551 = arith.constant 0 : i32
          %scan3A_552 = arith.constant 16 : i32
          %scan3A_553 = arith.addi %scan3A_551, %scan3A_552 : i32
          %scan3A_554 = arith.constant 1 : i32
          %scan3A_555 = scf.for %scan3A_557 = %scan3A_551 to %scan3A_553 step %scan3A_554 iter_args(%scan3A_558 = %scan3A_550) -> (i32)  : i32 {
            %add3A_559 = arith.addi %add3A_489, %scan3A_557 : i32
            %ge3A = vector.broadcast %add3A_559 : i32 to vector<16xi32>
            %ge3A_560 = arith.cmpi sge, %ge3A, %get3A_529 : vector<16xi32>
            %lt3A_561 = vector.broadcast %add3A_559 : i32 to vector<16xi32>
            %lt3A_562 = arith.cmpi slt, %lt3A_561, %get3A_533 : vector<16xi32>
            %and3A_563 = arith.andi %ge3A_560, %lt3A_562 : vector<16xi1>
            %broadcast_in_dim3A_564 = vector.broadcast %scan3A_557 : i32 to vector<16xi32>
            tpu.vector_store_idx %arg16[%broadcast_in_dim3A_564, %get3A_525], %broadcast_in_dim3A_14 masked %and3A_563 : memref<16x1024xf32, #tpu.memory_space<vmem>>[vector<16xi32>, vector<16xi32>], vector<16xf32>, vector<16xi1>
            %scan3A_565 = arith.constant 0 : i32
            scf.yield %scan3A_565 : i32
          }
          %scan3A_556 = arith.constant 16 : i32
        } else {
        }
        %while3A_549 = arith.constant 0 : i32
        scf.yield %while3A_549 : i32
      }
      %dma_start3A_515 = arith.constant 0 : i32
      %dma_start3A_516 = tpu.memref_slice %arg6[%add3A_489, %dma_start3A_515] : memref<16384x1024xf32, #tpu.memory_space<hbm>> -> memref<16x1024xf32, #tpu.memory_space<hbm>>
      %dma_start3A_517 = arith.constant 0 : i32
      %dma_start3A_518 = tpu.memref_slice %arg6[%add3A_489, %dma_start3A_517] : memref<16384x1024xf32, #tpu.memory_space<hbm>> -> memref<16x1024xf32, #tpu.memory_space<hbm>>
      tpu.enqueue_dma source(%arg16 : memref<16x1024xf32, #tpu.memory_space<vmem>>) target(%dma_start3A_518 : memref<16x1024xf32, #tpu.memory_space<hbm>>) target_semaphore(%arg25 : memref<!tpu.dma_semaphore, #tpu.memory_space<semaphore_mem>>)
      %scan3A_519 = arith.constant 0 : i32
      scf.yield %scan3A_519 : i32
    }
    %scan3A_352 = arith.constant 8 : i32
    %add3A_353 = arith.constant 448 : i32
    %add3A_354 = arith.addi %mul3A_2, %add3A_353 : i32
    %dma_wait3A = arith.constant 0 : i32
    %dma_wait3A_355 = tpu.memref_slice %arg6[%add3A_354, %dma_wait3A] : memref<16384x1024xf32, #tpu.memory_space<hbm>> -> memref<16x1024xf32, #tpu.memory_space<hbm>>
    %dma_wait3A_356 = arith.constant 0 : i32
    %dma_wait3A_357 = tpu.memref_slice %arg6[%add3A_354, %dma_wait3A_356] : memref<16384x1024xf32, #tpu.memory_space<hbm>> -> memref<16x1024xf32, #tpu.memory_space<hbm>>
    tpu.wait_dma2 semaphore(%arg22 : memref<!tpu.dma_semaphore, #tpu.memory_space<semaphore_mem>>) src(%arg13 : memref<16x1024xf32, #tpu.memory_space<vmem>>) dst(%dma_wait3A_357 : memref<16x1024xf32, #tpu.memory_space<hbm>>)
    %add3A_358 = arith.constant 464 : i32
    %add3A_359 = arith.addi %mul3A_2, %add3A_358 : i32
    %dma_wait3A_360 = arith.constant 0 : i32
    %dma_wait3A_361 = tpu.memref_slice %arg6[%add3A_359, %dma_wait3A_360] : memref<16384x1024xf32, #tpu.memory_space<hbm>> -> memref<16x1024xf32, #tpu.memory_space<hbm>>
    %dma_wait3A_362 = arith.constant 0 : i32
    %dma_wait3A_363 = tpu.memref_slice %arg6[%add3A_359, %dma_wait3A_362] : memref<16384x1024xf32, #tpu.memory_space<hbm>> -> memref<16x1024xf32, #tpu.memory_space<hbm>>
    tpu.wait_dma2 semaphore(%arg23 : memref<!tpu.dma_semaphore, #tpu.memory_space<semaphore_mem>>) src(%arg14 : memref<16x1024xf32, #tpu.memory_space<vmem>>) dst(%dma_wait3A_363 : memref<16x1024xf32, #tpu.memory_space<hbm>>)
    %add3A_364 = arith.constant 480 : i32
    %add3A_365 = arith.addi %mul3A_2, %add3A_364 : i32
    %dma_wait3A_366 = arith.constant 0 : i32
    %dma_wait3A_367 = tpu.memref_slice %arg6[%add3A_365, %dma_wait3A_366] : memref<16384x1024xf32, #tpu.memory_space<hbm>> -> memref<16x1024xf32, #tpu.memory_space<hbm>>
    %dma_wait3A_368 = arith.constant 0 : i32
    %dma_wait3A_369 = tpu.memref_slice %arg6[%add3A_365, %dma_wait3A_368] : memref<16384x1024xf32, #tpu.memory_space<hbm>> -> memref<16x1024xf32, #tpu.memory_space<hbm>>
    tpu.wait_dma2 semaphore(%arg24 : memref<!tpu.dma_semaphore, #tpu.memory_space<semaphore_mem>>) src(%arg15 : memref<16x1024xf32, #tpu.memory_space<vmem>>) dst(%dma_wait3A_369 : memref<16x1024xf32, #tpu.memory_space<hbm>>)
    %add3A_370 = arith.constant 496 : i32
    %add3A_371 = arith.addi %mul3A_2, %add3A_370 : i32
    %dma_wait3A_372 = arith.constant 0 : i32
    %dma_wait3A_373 = tpu.memref_slice %arg6[%add3A_371, %dma_wait3A_372] : memref<16384x1024xf32, #tpu.memory_space<hbm>> -> memref<16x1024xf32, #tpu.memory_space<hbm>>
    %dma_wait3A_374 = arith.constant 0 : i32
    %dma_wait3A_375 = tpu.memref_slice %arg6[%add3A_371, %dma_wait3A_374] : memref<16384x1024xf32, #tpu.memory_space<hbm>> -> memref<16x1024xf32, #tpu.memory_space<hbm>>
    tpu.wait_dma2 semaphore(%arg25 : memref<!tpu.dma_semaphore, #tpu.memory_space<semaphore_mem>>) src(%arg16 : memref<16x1024xf32, #tpu.memory_space<vmem>>) dst(%dma_wait3A_375 : memref<16x1024xf32, #tpu.memory_space<hbm>>)
    return
  }
}

</mosaic_0001>

<sc_bundles>
// kernel: kernel.3.cloned.1.call-start
scs
__scs_entry_jumppad:
0x0: {  	(pc) =	sbr.rel $0x88, $3  }
0x1: {  	(tag) =	ssettag $0x0;
	lr =	simm.s32 $0x1  }
0x2: {  	[smem:$0x3F9D] =	sst lr;
	_ =	strace $0xD0000000  }
0x3: {  	_ = 	snop  }
0x4: {  	_ = 	snop  }
0x5: {  	_ = 	snop  }
0x6: {  	_ = 	snop  }
0x7: {  	_ = 	snop  }
__scs_overlays_trampoline_lowered:
0x8: {  	[smem:$0x3FAC] =	sst s0  }
0x9: {  	[smem:$0x3FAD] =	sst s1  }
0xa: {  	[smem:$0x3FAE] =	sst s2  }
0xb: {  	[smem:$0x3FAF] =	sst s3  }
0xc: {  	[smem:$0x3FB0] =	sst s4  }
0xd: {  	[smem:$0x3FB1] =	sst s5  }
0xe: {  	[smem:$0x3FB2] =	sst s6  }
0xf: {  	[smem:$0x3FB3] =	sst s7  }
0x10: {  	[smem:$0x3FB4] =	sst s8  }
0x11: {  	[smem:$0x3FB5] =	sst s9;
	s0 =	simm.s32 @!p0 $0x0  }
0x12: {  	s1 =	sld [smem:$0x3F9B];
	s0 =	simm.s32 @p0 $0x1  }
0x13: {  	[smem:$0x3FB6] =	sst s0;
	s0 =	simm.s32 @!p1 $0x0  }
0x14: {  	s2 =	sld [smem:$0x3F9A];
	s0 =	simm.s32 @p1 $0x1  }
0x15: {  	[smem:$0x3FB7] =	sst s0;
	s0 =	simm.s32 @!p2 $0x0  }
0x16: {  	s3 =	sld [smem:$0x3FDB];
	s0 =	simm.s32 @p2 $0x1  }
0x17: {  	s4 =	simm.s32 $0x1BF5;
	[smem:$0x3FB9] =	sst s0  }
0x18: {  	s0 =	sld [smem:$0x3F9C];
	_ =	swait.ge [sflag:s4], $0x0  }
0x19: {  	s7 =	sld [smem:$0x3F9D]  }
0x1a: {  	s8 =	sadd.s32 $0xFFFFE003, lr  }
0x1b: {  	s9 =	sadd.s32 $0xFFFFFEF7, lr;
	s5 =	simm.s32 $0xFFFFFFFF;
	p2 =	slt.u32 s8, $0xFFFFF086  }
0x1c: {  	p1 =	slt.u32 s9, $0xF7A;
	s5 =	simm.s32 @!p2 $0x0  }
0x1d: {  	s5 =	simm.s32 @p1 $0x1;
	p0 =	seq.s32 s7, s2  }
0x1e: {  	s7 =	smul.u32 @!p0 $0xF7A, s2;
	p2 =	seq.s32 @!p0 s5, $0x0  }
0x1f: {  	s9 =	smul.u32 $0xF7A, s1;
	s8 =	simm.s32 @!p0 $0x1BF5;
	p2 =	por !p2, p0  }
0x20: {  	[sflag:s8] =	ssyncset.s32 @!p0 $0xFFFFF086;
	s6 =	sadd.s32 @!p0 s3, s7;
	s7 =	simm.s32 @!p0 $0x108  }
0x21: {  	s3 =	sadd.s32 s3, s9;
	s6 =	sadd.s32 @!p0 $0x88, s6;
	s7 =	simm.s32 @p2 $0x1082  }
0x22: {  	[simem:s7], [sflag:s8] =	dma.local @!p0 [hbm:s6], $0xF7A  }
0x23: {  	s9 =	sor.u32 $0xD0000000, s2;
	s6 =	simm.s32 $0x108;
	_ =	swait.ge @!p0 [sflag:s8], $0x0  }
0x24: {  	s3 =	sadd.s32 $0x88, s3;
	s6 =	simm.s32 @!p1 $0x1082;
	[sflag:s4] =	ssyncset.s32 $0xFFFFF086  }
0x25: {  	[simem:s6], [sflag:s4] =	dma.local [hbm:s3], $0xF7A  }
0x26: {  	[smem:$0x3F9D] =	sst s1;
	(tag) =	ssettag s2;
	_ =	strace s9  }
0x27: {  	s1 =	sld [smem:$0x3FAD]  }
0x28: {  	s2 =	sld [smem:$0x3FAE]  }
0x29: {  	s4 =	sld [smem:$0x3FB0]  }
0x2a: {  	p0 =	seq.s32 s5, $0x0;
	s5 =	sld [smem:$0x3FB1]  }
0x2b: {  	s6 =	sld [smem:$0x3FB2]  }
0x2c: {  	s7 =	sld [smem:$0x3FB3]  }
0x2d: {  	s3 =	simm.s32 $0x108;
	s8 =	sld [smem:$0x3FB4]  }
0x2e: {  	s3 =	simm.s32 @!p0 $0x1082;
	s9 =	sld [smem:$0x3FB5]  }
0x2f: {  	lr =	sadd.s32 s0, s3;
	s0 =	sld [smem:$0x3FAC]  }
0x30: {  	s3 =	sld [smem:$0x3FAF]  }
0x31: {  	[smem:$0x3FB8] =	sst s10  }
0x32: {  	s10 =	sld [smem:$0x3FB6];
	_ =	sdelay $0x3  }
0x33: {  	p0 =	seq.s32 s10, $0x1;
	s10 =	sld [smem:$0x3FB8];
	_ =	sdelay $0x3  }
0x34: {  	[smem:$0x3FB8] =	sst s10  }
0x35: {  	s10 =	sld [smem:$0x3FB7];
	_ =	sdelay $0x3  }
0x36: {  	p1 =	seq.s32 s10, $0x1;
	s10 =	sld [smem:$0x3FB8];
	_ =	sdelay $0x3  }
0x37: {  	[smem:$0x3FB8] =	sst s10  }
0x38: {  	s10 =	sld [smem:$0x3FB9]  }
0x39: {  	_ = 	snop;
	(pc) =	sbr.ind lr, $3  }
0x3a: {  	_ = 	snop  }
0x3b: {  	_ = 	snop  }
0x3c: {  	p2 =	seq.s32 s10, $0x1;
	s10 =	sld [smem:$0x3FB8]  }
0x3d: {  	_ =	shalt  }
0x3e: {  	_ =	shalt  }
0x3f: {  	_ =	shalt  }
0x40: {  	_ =	shalt  }
0x41: {  	_ =	shalt  }
0x42: {  	_ =	shalt  }
0x43: {  	_ =	shalt  }
0x44: {  	_ =	shalt  }
0x45: {  	_ =	shalt  }
0x46: {  	_ =	shalt  }
0x47: {  	_ =	shalt  }
0x48: {  	_ =	shalt  }
0x49: {  	_ =	shalt  }
0x4a: {  	_ =	shalt  }
0x4b: {  	_ =	shalt  }
0x4c: {  	_ =	shalt  }
0x4d: {  	_ =	shalt  }
0x4e: {  	_ =	shalt  }
0x4f: {  	_ =	shalt  }
0x50: {  	_ =	shalt  }
0x51: {  	_ =	shalt  }
0x52: {  	_ =	shalt  }
0x53: {  	_ =	shalt  }
0x54: {  	_ =	shalt  }
0x55: {  	_ =	shalt  }
0x56: {  	_ =	shalt  }
0x57: {  	_ =	shalt  }
0x58: {  	_ =	shalt  }
0x59: {  	_ =	shalt  }
0x5a: {  	_ =	shalt  }
0x5b: {  	_ =	shalt  }
0x5c: {  	_ =	shalt  }
0x5d: {  	_ =	shalt  }
0x5e: {  	_ =	shalt  }
0x5f: {  	_ =	shalt  }
0x60: {  	_ =	shalt  }
0x61: {  	_ =	shalt  }
0x62: {  	_ =	shalt  }
0x63: {  	_ =	shalt  }
0x64: {  	_ =	shalt  }
0x65: {  	_ =	shalt  }
0x66: {  	_ =	shalt  }
0x67: {  	_ =	shalt  }
0x68: {  	_ =	shalt  }
0x69: {  	_ =	shalt  }
0x6a: {  	_ =	shalt  }
0x6b: {  	_ =	shalt  }
0x6c: {  	_ =	shalt  }
0x6d: {  	_ =	shalt  }
0x6e: {  	_ =	shalt  }
0x6f: {  	_ =	shalt  }
0x70: {  	_ =	shalt  }
0x71: {  	_ =	shalt  }
0x72: {  	_ =	shalt  }
0x73: {  	_ =	shalt  }
0x74: {  	_ =	shalt  }
0x75: {  	_ =	shalt  }
0x76: {  	_ =	shalt  }
0x77: {  	_ =	shalt  }
0x78: {  	_ =	shalt  }
0x79: {  	_ =	shalt  }
0x7a: {  	_ =	shalt  }
0x7b: {  	_ =	shalt  }
0x7c: {  	_ =	shalt  }
0x7d: {  	_ =	shalt  }
0x7e: {  	_ =	shalt  }
0x7f: {  	_ =	shalt  }
0x80: {  	_ =	shalt  }
0x81: {  	_ =	shalt  }
0x82: {  	_ =	shalt  }
0x83: {  	_ =	shalt  }
0x84: {  	_ =	shalt  }
0x85: {  	_ =	shalt  }
0x86: {  	_ =	shalt  }
0x87: {  	_ =	shalt  }
.Lfunc_end0:
.L_simem_size_0:
called_computation_lowered:
.L_overlay_start_0:
0x88: {  	s2 =	sld [smem:$0x3FD9]  }
0x89: {  	s3 =	sld [smem:$0x3FFE];
	_ =	sdelay $0x1  }
0x8a: {  	s1 =	srdreg.scid  }
0x8b: {  	s0 =	sand.u32 $0x1, s1  }
0x8c: {  	s18 =	sshll.u32 s0, $0xA;
	s2 =	sadd.s32 s3, s2  }
0x8d: {  	s2 =	sadd.s32 s2, s18  }
0x8e: {  	[smem:$0x3FC4] =	sst s2  }
0x8f: {  	_ = 	snop  }
0x90: {  	s2 =	sld [smem:$0x3FC9]  }
0x91: {  	s19 =	sld [smem:$0x3FC8]  }
0x92: {  	s4 =	sld [smem:$0x3FC7]  }
0x93: {  	s5 =	sld [smem:$0x3FC6]  }
0x94: {  	s6 =	sld [smem:$0x3FD0];
	(tm) =	ssettm $0x1  }
0x95: {  	s7 =	sld [smem:$0x3FFB];
	_ =	sdelay $0x3  }
0x96: {  	_ =	strace s7  }
0x97: {  	s7 =	sld [smem:$0x3FFC];
	_ =	sdelay $0x3  }
0x98: {  	_ =	strace s7  }
0x99: {  	s7 =	sld [smem:$0x3FFD];
	_ =	sdelay $0x3  }
0x9a: {  	_ =	strace s7  }
0x9b: {  	_ =	strace $0x8FFFFFFF  }
0x9c: {  	s20 =	sld [smem:$0x3FDB];
	_ =	sdelay $0x1  }
0x9d: {  	s8 =	simm.s32 $_scs_section_size  }
0x9e: {  	s9 =	simm.s32 $_size__tile_overlayer_lowered;
	s10 =	simm.s32 $_tile_overlayer_lowered  }
0x9f: {  	s23 =	simm.s32 $0x1BFF;
	s22 =	sshll.u32 s10, $0x1;
	s7 =	sadd.s32 s8, s20  }
0xa0: {  	s11 =	simm.s32 $0x0;
	s21 =	sshll.u32 s9, $0x1;
	s9 =	sadd.s32 s22, s7  }
0xa1: {  	[timem:s11], [sflag:s23] =	dma.local [hbm:s9], s21  }
0xa2: {  	_ =	swait.ge [sflag:s23], s21  }
0xa3: {  	s8 =	ssub.s32 $0x0, s21;
	[sflag:s23] =	ssyncset.done $0x0  }
0xa4: {  	[sflag:s23] =	ssyncadd.s32 s8;
	_ =	sdelay $0x1  }
0xa5: {  	s24 =	simm.s32 $0x1B8B  }
0xa6: {  	_ =	swait.ge [sflag:s24], $0x1  }
0xa7: {  	[sflag:s24] =	ssyncset.done $0x0  }
0xa8: {  	s25 =	simm.s32 $0x1B8E;
	[sflag:s24] =	ssyncadd.s32 $0xFFFFFFFF  }
0xa9: {  	s26 =	simm.s32 $execute0_lowered;
	[smem:$0x3FD2] =	sst s25  }
0xaa: {  	s8 =	sshll.u32 s26, $0x1;
	_ =	strace $0x80000046;
	[dreg:$0x1] =	wrdreg $0xFFFFFFFF  }
0xab: {  	s28 =	simm.s32 $_size_execute0_lowered;
	s7 =	sadd.s32 s7, s8;
	[dreg:$0x0] =	wrdreg $0x0  }
0xac: {  	s8 =	sshll.u32 s28, $0x1;
	[dreg:$0x2] =	wrdreg s7  }
0xad: {  	[dreg:$0x3] =	wrdreg s8  }
0xae: {  	[dreg:$0x4] =	wrdreg $0xC0  }
0xaf: {  	_ =	task [dreg:s11], $0x5FFFF  }
0xb0: {  	[dreg:$0x1] =	wrdreg $0xFFFFFFFF  }
0xb1: {  	[dreg:$0x0] =	wrdreg $0x60  }
0xb2: {  	[dreg:$0x2] =	wrdreg s2  }
0xb3: {  	[dreg:$0x3] =	wrdreg s19  }
0xb4: {  	[dreg:$0x4] =	wrdreg s4  }
0xb5: {  	[dreg:$0x5] =	wrdreg s5  }
0xb6: {  	[dreg:$0x6] =	wrdreg s6  }
0xb7: {  	[dreg:$0x7] =	wrdreg $0x9  }
0xb8: {  	_ =	task.clear_ibuf [dreg:s11], $0x8FFFF;
	_ =	strace $0x90000046  }
0xb9: {  	s29 =	simm.s32 $0x9;
	_ =	strace $0x80000048  }
0xba: {  	_ =	swait.ge [sflag:s29], $0x1  }
0xbb: {  	[sflag:s29] =	ssyncadd.s32 $0xFFFFFFFF  }
0xbc: {  	_ =	strace $0x90000048  }
0xbd: {  	_ =	sfence  }
0xbe: {  	s30 =	sld [smem:$0x0];
	_ =	sdelay $0x2  }
0xbf: {  	s31 =	sshll.u32 s1, $0xD;
	s1 =	sshrl.u32 s1, $0x2  }
0xc0: {  	s3 =	sand.u32 $0x4000, s31;
	s1 =	sadd.s32 s1, s30  }
0xc1: {  	s0 =	sor.u32 s3, s0;
	s1 =	sshll.u32 s1, $0x11  }
0xc2: {  	s0 =	sor.u32 s1, s0  }
0xc3: {  	s0 =	sadd.s32 $0x8F2B, s0  }
0xc4: {  	[sflag:s0] =	ssyncadd.remote.s32 $0x1  }
0xc5: {  	_ =	sfence.sel $0xFFFF  }
0xc6: {  	[dreg:$0x0] =	wrdreg $0xFFFFFFFF;
	(pc) =	sbr.abs _section_cstart, $3  }
0xc7: {  	[dreg:$0x1] =	wrdreg $0xFFFFFFFF  }
0xc8: {  	_ =	task.clear_ibuf [dreg:s11], $0x2FFFF;
	_ =	strace $0x9FFFFFFF  }
0xc9: {  	(tm) =	ssettm $0x7FFFFFFF  }
tec
execute0_lowered:
.L_overlay_start_1:
0x0: {  	(tag) =	ssettag $0x1  }
0x1: {  	s0 =	rddreg [dreg:$0x0];
	s1 =	srdreg.scid  }
0x2: {  	s2 =	stileid.u32;
	s5 =	rddreg [dreg:$0x4];
	s6 =	simm.s32 $0x0  }
0x3: {  	s16 =	simm.s32 $0x480;
	s19 =	simm.s32 $0x1;
	s20 =	simm.s32 $0x180  }
0x4: {  	s21 =	simm.s32 $0x280;
	s22 =	simm.s32 $0x380;
	s23 =	simm.s32 $0x8480  }
0x5: {  	s24 =	simm.s32 $0x2;
	s28 =	simm.s32 $0x4;
	s29 =	simm.s32 $0x5  }
0x6: {  	s1 =	sand.u32 $0x1, s1;
	s2 =	sshll.u32 s2, $0xA;
	[smem:$0x7FF] =	sst s6  }
0x7: {  	s10 =	sadd.s32 $0x1000, s0;
	s3 =	sshll.u32 s1, $0x9;
	s1 =	ssub.s32 $0x2, s1  }
0x8: {  	_ =	strace $0x80000047;
	s9 =	sor.u32 s3, s2;
	s17 =	sshrl.u32 s1, $0x1  }
0x9: {  	s2 =	sshll.u32 s9, $0x7;
	s1 =	ssub.s32 s1, s17;
	s26 =	sor.u32 $0x10, s9  }
0xa: {  	s18 =	sadd.s32 $0x200, s9;
	s30 =	sor.u32 $0x20, s9;
	[dreg:$0x9] =	wrdreg s26  }
.Ltmp0:
0xb: {  	s31 =	sor.u32 $0x30, s9;
	[dreg:$0xa] =	wrdreg s30;
	(pc) =	sbr.rel .LBB2_1-.Ltmp0, $4  }
0xc: {  	s17 =	simm.s32 $0x4480;
	s2 =	sadd.s32 s0, s2;
	[dreg:$0xb] =	wrdreg s31  }
0xd: {  	s25 =	smax.u32 s1, $0x1;
	s26 =	simm.s32 $0x3;
	[dreg:$0x6] =	wrdreg s2  }
0xe: {  	v2 =	vimm.s32 $0x0;
	s0 =	simm.s32 $0x9;
	s2 =	sadd.s32 $0x800, s2;
	[dreg:$0x8] =	wrdreg s25  }
0xf: {  	v3 =	vimm.f32 $0.0e+00;
	v1 =	vmov s9;
	v0 =	vmov s18;
	s1 =	simm.s32 $0x0;
	s25 =	simm.s32 $0xC480;
	[dreg:$0x7] =	wrdreg s2  }
.LBB2_31:
0x10: {  	s2 =	simm.s32 $0x6  }
0x11: {  	_ =	swait.ge [sflag:s2], $0x4000  }
0x12: {  	[sflag:s2] =	ssyncset.done $0x0  }
0x13: {  	s18 =	simm.s32 $0x7;
	[sflag:s2] =	ssyncadd.s32 $0xFFFFC000  }
0x14: {  	_ =	swait.ge [sflag:s18], $0x4000  }
0x15: {  	[sflag:s18] =	ssyncset.done $0x0  }
0x16: {  	s30 =	simm.s32 $0x8;
	[sflag:s18] =	ssyncadd.s32 $0xFFFFC000  }
0x17: {  	_ =	swait.ge [sflag:s30], $0x4000  }
0x18: {  	[sflag:s30] =	ssyncset.done $0x0  }
0x19: {  	[sflag:s30] =	ssyncadd.s32 $0xFFFFC000  }
0x1a: {  	_ =	swait.ge [sflag:s0], $0x4000  }
0x1b: {  	s1 =	sadd.s32 $0x1, s1;
	s31 =	rddreg [dreg:$0x8]  }
0x1c: {  	p0 =	sne.s32 s1, s31  }
.Ltmp1:
0x1d: {  	_ = 	snop;
	(pc) =	sbr.rel @!p0 .LBB2_32-.Ltmp1, $3  }
0x1e: {  	_ =	sdelay $0x1  }
0x1f: {  	[sflag:s0] =	ssyncset.done $0x0  }
0x20: {  	[sflag:s0] =	ssyncadd.s32 $0xFFFFC000  }
.LBB2_1:
0x21: {  	s2 =	rddreg [dreg:$0x1]  }
0x22: {  	[tilespmem:s6], [sflag:$0x1] =	stream.linear.gather [hbm4b:s2+s6], $0x80, $0x38;
	[tilespmem:$0x10480] =	vst v63  }
0x23: {  	s30 =	rddreg [dreg:$0x2];
	s3 =	simm.s32 $0x80  }
0x24: {  	[tilespmem:s3], [sflag:$0x1] =	stream.linear.gather [hbm4b:s30+s6], $0x80, $0x38;
	[tilespmem:$0x10480] =	vst v63  }
0x25: {  	s31 =	rddreg [dreg:$0x6]  }
0x26: {  	[tilespmem:s16], [sflag:$0x2] =	stream.linear.gather [hbm4b:s31+s6], $0x4000, $0x38;
	[tilespmem:$0x10480] =	vst v63  }
0x27: {  	s3 =	rddreg [dreg:$0x7]  }
0x28: {  	[tilespmem:s17], [sflag:$0x3] =	stream.linear.gather [hbm4b:s3+s6], $0x4000, $0x38;
	[tilespmem:$0x10480] =	vst v63  }
0x29: {  	s4 =	rddreg [dreg:$0x3];
	s7 =	simm.s32 $0x100  }
0x2a: {  	[tilespmem:s7], [sflag:$0x1] =	stream.linear.gather [hbm4b:s4+s6], $0x80, $0x38;
	[tilespmem:$0x10480] =	vst v63  }
0x2b: {  	_ =	swait.ge [sflag:s19], $0x80  }
0x2c: {  	[sflag:s19] =	ssyncset.done $0x0  }
0x2d: {  	[sflag:s19] =	ssyncadd.s32 $0xFFFFFF80  }
0x2e: {  	_ =	swait.ge [sflag:s19], $0x80  }
0x2f: {  	[sflag:s19] =	ssyncset.done $0x0  }
0x30: {  	[sflag:s19] =	ssyncadd.s32 $0xFFFFFF80  }
0x31: {  	_ =	swait.ge [sflag:s19], $0x80  }
0x32: {  	[sflag:s19] =	ssyncset.done $0x0  }
0x33: {  	[sflag:s19] =	ssyncadd.s32 $0xFFFFFF80  }
0x34: {  	[tilespmem:$0x180] =	vst v2  }
0x35: {  	[tilespmem:$0x280] =	vst v2  }
0x36: {  	[tilespmem:$0x380] =	vst v2  }
0x37: {  	[tilespmem:$0x190] =	vst v2  }
0x38: {  	[tilespmem:$0x290] =	vst v2;
	v4 =	vld [tilespmem:$0x80]  }
0x39: {  	[tilespmem:$0x390] =	vst v2;
	v5 =	vld [tilespmem:$0x100]  }
0x3a: {  	[tilespmem:$0x1A0] =	vst v2  }
0x3b: {  	[tilespmem:$0x2A0] =	vst v2  }
0x3c: {  	[tilespmem:$0x3A0] =	vst v2  }
0x3d: {  	[tilespmem:$0x1B0] =	vst v2  }
0x3e: {  	[tilespmem:$0x2B0] =	vst v2;
	v6 =	vadd.s32 v4, v5  }
0x3f: {  	[tilespmem:$0x3B0] =	vst v2;
	vm1 =	vgt.s32 v5, $0x0;
	vm0 =	vgt.s32 v6, v1  }
0x40: {  	[tilespmem:$0x1C0] =	vst v2;
	vm2 =	vlt.s32 v4, v0;
	vm0 =	vmand vm0, vm1  }
0x41: {  	[tilespmem:$0x2C0] =	vst v2;
	vm0 =	vmand vm0, vm2  }
0x42: {  	[tilespmem:$0x3C0] =	vst v2;
	v5 =	vsel vm0, $0x1, v2  }
0x43: {  	[tilespmem:$0x1D0] =	vst v2;
	(xrf0) =	vadd.scan.msk.s32 vm0, v5  }
0x44: {  	[tilespmem:$0x2D0] =	vst v2  }
0x45: {  	[tilespmem:$0x3D0] =	vst v2  }
0x46: {  	[tilespmem:$0x1E0] =	vst v2  }
0x47: {  	[tilespmem:$0x2E0] =	vst v2  }
0x48: {  	[tilespmem:$0x3E0] =	vst v2  }
0x49: {  	[tilespmem:$0x1F0] =	vst v2;
	v5, _, _ =	vpop (xrf0)  }
0x4a: {  	[tilespmem:$0x2F0] =	vst v2;
	v7 =	vld [tilespmem:$0x0];
	v5 =	vadd.s32 $0xFFFFFFFF, v5  }
0x4b: {  	[tilespmem:$0x3F0] =	vst v2  }
0x4c: {  	[tilespmem:$0x200] =	vst v2  }
0x4d: {  	[tilespmem:$0x300] =	vst v2  }
0x4e: {  	[tilespmem:$0x400] =	vst v2  }
0x4f: {  	[tilespmem:v5+s20+$0x0] =	vst.idx.msk vm0, v7  }
0x50: {  	[tilespmem:v5+s21+$0x0] =	vst.idx.msk vm0, v4  }
0x51: {  	[tilespmem:v5+s22+$0x0] =	vst.idx.msk vm0, v6  }
0x52: {  	v4 =	vld [tilespmem:$0x90]  }
0x53: {  	v5 =	vld [tilespmem:$0x110];
	_ =	sdelay $0x4  }
0x54: {  	v43 =	vadd.s32 v4, v5  }
0x55: {  	vm8 =	vgt.s32 v5, $0x0;
	vm7 =	vgt.s32 v43, v1  }
0x56: {  	vm9 =	vlt.s32 v4, v0;
	vm1 =	vmand vm7, vm8  }
0x57: {  	vm1 =	vmand vm1, vm9  }
0x58: {  	v5 =	vsel vm1, $0x1, v2  }
0x59: {  	(xrf0) =	vadd.scan.msk.s32 vm1, v5;
	_ =	sdelay $0x1  }
0x5a: {  	v5 =	vmpcnt.ones.xlane vm0;
	_ =	sdelay $0x1  }
0x5b: {  	v44 =	vadd.s32 $0xFFFFFFFF, v5  }
0x5c: {  	v7 =	vbroadcast v44, $0x0  }
0x5d: {  	v8, _, _ =	vpop (xrf0)  }
0x5e: {  	v9 =	vld [tilespmem:$0x10];
	v7 =	vadd.s32 v8, v7;
	_ =	sdelay $0x2  }
0x5f: {  	v45 =	vmpcnt.ones.xlane vm1  }
0x60: {  	(v2sf) =	vpush v5, $0x0  }
0x61: {  	(v2sf) =	vpush v45, $0x0;
	[tilespmem:v7+s20+$0x0] =	vst.idx.msk vm1, v9  }
0x62: {  	[tilespmem:v7+s21+$0x0] =	vst.idx.msk vm1, v4  }
0x63: {  	[tilespmem:v7+s22+$0x0] =	vst.idx.msk vm1, v43  }
0x64: {  	v4 =	vld [tilespmem:$0xA0]  }
0x65: {  	v5 =	vld [tilespmem:$0x120];
	_ =	sdelay $0x4  }
0x66: {  	v46 =	vadd.s32 v4, v5  }
0x67: {  	vm11 =	vgt.s32 v5, $0x0;
	vm10 =	vgt.s32 v46, v1  }
0x68: {  	vm12 =	vlt.s32 v4, v0;
	vm0 =	vmand vm10, vm11  }
0x69: {  	vm0 =	vmand vm0, vm12  }
0x6a: {  	v5 =	vsel vm0, $0x1, v2  }
0x6b: {  	s8 =	spop (v2sf);
	(xrf0) =	vadd.scan.msk.s32 vm0, v5  }
0x6c: {  	s4 =	spop (v2sf)  }
0x6d: {  	s2 =	sadd.s32 s8, s4  }
0x6e: {  	v5 =	vmov s2  }
0x6f: {  	v5 =	vadd.s32 $0xFFFFFFFF, v5  }
0x70: {  	v5 =	vbroadcast v5, $0x0  }
0x71: {  	v47, _, _ =	vpop (xrf0)  }
0x72: {  	v48 =	vld [tilespmem:$0x20];
	v5 =	vadd.s32 v47, v5;
	_ =	sdelay $0x2  }
0x73: {  	v49 =	vmpcnt.ones.xlane vm0;
	_ =	sdelay $0x1  }
0x74: {  	(v2sf) =	vpush v49, $0x0;
	[tilespmem:v5+s20+$0x0] =	vst.idx.msk vm0, v48  }
0x75: {  	[tilespmem:v5+s21+$0x0] =	vst.idx.msk vm0, v4  }
0x76: {  	[tilespmem:v5+s22+$0x0] =	vst.idx.msk vm0, v46  }
0x77: {  	v4 =	vld [tilespmem:$0xB0]  }
0x78: {  	v5 =	vld [tilespmem:$0x130];
	_ =	sdelay $0x4  }
0x79: {  	v50 =	vadd.s32 v4, v5  }
0x7a: {  	vm14 =	vgt.s32 v5, $0x0;
	vm13 =	vgt.s32 v50, v1  }
0x7b: {  	vm15 =	vlt.s32 v4, v0;
	vm0 =	vmand vm13, vm14  }
0x7c: {  	vm0 =	vmand vm0, vm15  }
0x7d: {  	v5 =	vsel vm0, $0x1, v2  }
0x7e: {  	(xrf0) =	vadd.scan.msk.s32 vm0, v5  }
0x7f: {  	s11 =	spop (v2sf)  }
0x80: {  	s2 =	sadd.s32 s2, s11  }
0x81: {  	v5 =	vmov s2  }
0x82: {  	v5 =	vadd.s32 $0xFFFFFFFF, v5  }
0x83: {  	v5 =	vbroadcast v5, $0x0  }
0x84: {  	v51, _, _ =	vpop (xrf0)  }
0x85: {  	v8 =	vld [tilespmem:$0x30];
	v5 =	vadd.s32 v51, v5;
	_ =	sdelay $0x2  }
0x86: {  	v52 =	vmpcnt.ones.xlane vm0;
	_ =	sdelay $0x1  }
0x87: {  	(v2sf) =	vpush v52, $0x0;
	[tilespmem:v5+s20+$0x0] =	vst.idx.msk vm0, v8  }
0x88: {  	[tilespmem:v5+s21+$0x0] =	vst.idx.msk vm0, v4  }
0x89: {  	[tilespmem:v5+s22+$0x0] =	vst.idx.msk vm0, v50  }
0x8a: {  	v4 =	vld [tilespmem:$0xC0]  }
0x8b: {  	v5 =	vld [tilespmem:$0x140];
	_ =	sdelay $0x4  }
0x8c: {  	v53 =	vadd.s32 v4, v5  }
0x8d: {  	vm5 =	vgt.s32 v5, $0x0;
	vm4 =	vgt.s32 v53, v1  }
0x8e: {  	vm6 =	vlt.s32 v4, v0;
	vm0 =	vmand vm4, vm5  }
0x8f: {  	vm0 =	vmand vm0, vm6  }
0x90: {  	v5 =	vsel vm0, $0x1, v2  }
0x91: {  	(xrf0) =	vadd.scan.msk.s32 vm0, v5  }
0x92: {  	s12 =	spop (v2sf)  }
0x93: {  	s2 =	sadd.s32 s2, s12  }
0x94: {  	v5 =	vmov s2  }
0x95: {  	v5 =	vadd.s32 $0xFFFFFFFF, v5  }
0x96: {  	v5 =	vbroadcast v5, $0x0  }
0x97: {  	v54, _, _ =	vpop (xrf0)  }
0x98: {  	v8 =	vld [tilespmem:$0x40];
	v5 =	vadd.s32 v54, v5;
	_ =	sdelay $0x2  }
0x99: {  	v55 =	vmpcnt.ones.xlane vm0;
	_ =	sdelay $0x1  }
0x9a: {  	(v2sf) =	vpush v55, $0x0;
	[tilespmem:v5+s20+$0x0] =	vst.idx.msk vm0, v8  }
0x9b: {  	[tilespmem:v5+s21+$0x0] =	vst.idx.msk vm0, v4  }
0x9c: {  	[tilespmem:v5+s22+$0x0] =	vst.idx.msk vm0, v53  }
0x9d: {  	v4 =	vld [tilespmem:$0xD0]  }
0x9e: {  	v5 =	vld [tilespmem:$0x150];
	_ =	sdelay $0x4  }
0x9f: {  	v56 =	vadd.s32 v4, v5  }
0xa0: {  	vm8 =	vgt.s32 v5, $0x0;
	vm7 =	vgt.s32 v56, v1  }
0xa1: {  	vm9 =	vlt.s32 v4, v0;
	vm0 =	vmand vm7, vm8  }
0xa2: {  	vm0 =	vmand vm0, vm9  }
0xa3: {  	v5 =	vsel vm0, $0x1, v2  }
0xa4: {  	(xrf0) =	vadd.scan.msk.s32 vm0, v5  }
0xa5: {  	s13 =	spop (v2sf)  }
0xa6: {  	s2 =	sadd.s32 s2, s13  }
0xa7: {  	v5 =	vmov s2  }
0xa8: {  	v5 =	vadd.s32 $0xFFFFFFFF, v5  }
0xa9: {  	v5 =	vbroadcast v5, $0x0  }
0xaa: {  	v57, _, _ =	vpop (xrf0)  }
0xab: {  	v8 =	vld [tilespmem:$0x50];
	v5 =	vadd.s32 v57, v5;
	_ =	sdelay $0x2  }
0xac: {  	v58 =	vmpcnt.ones.xlane vm0;
	_ =	sdelay $0x1  }
0xad: {  	(v2sf) =	vpush v58, $0x0;
	[tilespmem:v5+s20+$0x0] =	vst.idx.msk vm0, v8  }
0xae: {  	[tilespmem:v5+s21+$0x0] =	vst.idx.msk vm0, v4  }
0xaf: {  	[tilespmem:v5+s22+$0x0] =	vst.idx.msk vm0, v56  }
0xb0: {  	v4 =	vld [tilespmem:$0xE0]  }
0xb1: {  	v5 =	vld [tilespmem:$0x160];
	_ =	sdelay $0x4  }
0xb2: {  	v59 =	vadd.s32 v4, v5  }
0xb3: {  	vm11 =	vgt.s32 v5, $0x0;
	vm10 =	vgt.s32 v59, v1  }
0xb4: {  	vm12 =	vlt.s32 v4, v0;
	vm0 =	vmand vm10, vm11  }
0xb5: {  	vm0 =	vmand vm0, vm12  }
0xb6: {  	v5 =	vsel vm0, $0x1, v2  }
0xb7: {  	(xrf0) =	vadd.scan.msk.s32 vm0, v5  }
0xb8: {  	s14 =	spop (v2sf)  }
0xb9: {  	s2 =	sadd.s32 s2, s14  }
0xba: {  	v5 =	vmov s2  }
0xbb: {  	v5 =	vadd.s32 $0xFFFFFFFF, v5  }
0xbc: {  	v5 =	vbroadcast v5, $0x0  }
0xbd: {  	v60, _, _ =	vpop (xrf0)  }
0xbe: {  	v8 =	vld [tilespmem:$0x60];
	v5 =	vadd.s32 v60, v5;
	_ =	sdelay $0x4  }
0xbf: {  	[tilespmem:v5+s20+$0x0] =	vst.idx.msk vm0, v8  }
0xc0: {  	[tilespmem:v5+s21+$0x0] =	vst.idx.msk vm0, v4  }
0xc1: {  	[tilespmem:v5+s22+$0x0] =	vst.idx.msk vm0, v59  }
0xc2: {  	v4 =	vld [tilespmem:$0xF0]  }
0xc3: {  	v5 =	vld [tilespmem:$0x170];
	_ =	sdelay $0x4  }
0xc4: {  	v61 =	vmpcnt.ones.xlane vm0;
	v62 =	vadd.s32 v4, v5  }
0xc5: {  	vm14 =	vgt.s32 v5, $0x0;
	vm13 =	vgt.s32 v62, v1  }
0xc6: {  	(v2sf) =	vpush v61, $0x0;
	vm15 =	vlt.s32 v4, v0;
	vm0 =	vmand vm13, vm14  }
0xc7: {  	vm0 =	vmand vm0, vm15  }
0xc8: {  	v5 =	vmpcnt.ones.xlane vm0;
	_ =	sdelay $0x1  }
0xc9: {  	(v2sf) =	vpush v5, $0x0;
	_ =	sdelay $0x8  }
0xca: {  	v5 =	vsel vm0, $0x1, v2  }
0xcb: {  	(xrf0) =	vadd.scan.msk.s32 vm0, v5  }
0xcc: {  	s15 =	spop (v2sf)  }
0xcd: {  	s2 =	sadd.s32 s2, s15  }
0xce: {  	v5 =	vmov s2  }
0xcf: {  	v5 =	vadd.s32 $0xFFFFFFFF, v5  }
0xd0: {  	v5 =	vbroadcast v5, $0x0;
	s18 =	spop (v2sf)  }
0xd1: {  	v63, _, _ =	vpop (xrf0);
	s2 =	sadd.s32 s18, s2  }
0xd2: {  	v8 =	vld [tilespmem:$0x70];
	v5 =	vadd.s32 v63, v5;
	s2 =	sadd.s32 $0xF, s2  }
0xd3: {  	s30 =	sand.u32 $0xF, s2  }
0xd4: {  	s7 =	sshra.s32 s2, $0x1F;
	p0 =	slt.s32 s2, $0x1;
	p1 =	sne.s32 s30, $0x0  }
.Ltmp2:
0xd5: {  	s31 =	sshrl.u32 s7, $0x1C;
	p0 =	por !p0, !p1;
	(pc) =	sbr.rel .LBB2_2-.Ltmp2, $4  }
0xd6: {  	s4 =	simm.s32 $0x1;
	s2 =	sadd.s32 s31, s2;
	p0 =	por !p0, !p0  }
0xd7: {  	s12 =	rddreg [dreg:$0x9];
	[tilespmem:v5+s20+$0x0] =	vst.idx.msk vm0, v8;
	s2 =	sshra.s32 s2, $0x4;
	s4 =	simm.s32 @!p0 $0x0  }
0xd8: {  	s11 =	simm.s32 $0x0;
	s13 =	rddreg [dreg:$0xa];
	[tilespmem:v5+s21+$0x0] =	vst.idx.msk vm0, v4;
	s2 =	ssub.s32 s2, s4  }
0xd9: {  	s14 =	rddreg [dreg:$0xb];
	[tilespmem:v5+s22+$0x0] =	vst.idx.msk vm0, v62;
	s7 =	smov.u32 s9;
	p0 =	slt.s32 s2, $0x1  }
.LBB2_30:
0xda: {  	s11 =	sadd.s32 $0x1, s11  }
0xdb: {  	p1 =	sne.s32 s11, $0x8  }
.Ltmp3:
0xdc: {  	_ = 	snop;
	(pc) =	sbr.rel @!p1 .LBB2_31-.Ltmp3, $4  }
0xdd: {  	_ = 	snop  }
0xde: {  	s3 =	sshll.u32 s4, $0x7;
	s7 =	sadd.s32 $0x40, s7;
	s12 =	sadd.s32 $0x40, s12  }
0xdf: {  	s13 =	sadd.s32 $0x40, s13;
	s14 =	sadd.s32 $0x40, s14;
	s3 =	sadd.s32 s5, s3  }
0xe0: {  	[hbm4b:s3+s6] =	stream.linear.scatter [tilespmem:s25], [sflag:$0x9], $0x4000, $0x38;
	[tilespmem:$0x10480] =	vst v63  }
.LBB2_2:
0xe1: {  	p1 =	seq.s32 s11, $0x0  }
0xe2: {  	s4 =	sshll.u32 s11, $0x6;
	s8 =	simm.s32 @!p1 $0x8  }
0xe3: {  	s18 =	sor.u32 s9, s4;
	_ =	swait.ge @!p1 [sflag:s8], $0x4000  }
0xe4: {  	s4 =	sshll.u32 s18, $0x7;
	[sflag:s8] =	ssyncset.done @!p1 $0x0  }
.Ltmp4:
0xe5: {  	s31 =	sadd.s32 s4, s10;
	[sflag:s8] =	ssyncadd.s32 @!p1 $0xFFFFC000;
	(pc) =	sbr.rel @p0 .LBB2_9-.Ltmp4, $4  }
0xe6: {  	[tilespmem:s23], [sflag:$0x4] =	stream.linear.gather [hbm4b:s31+s6], $0x4000, $0x38;
	[tilespmem:$0x10480] =	vst v63  }
0xe7: {  	_ =	swait.ge [sflag:s24], $0x4000  }
0xe8: {  	s8 =	sor.u32 $0x10, s18;
	[sflag:s24] =	ssyncset.done $0x0  }
0xe9: {  	v5 =	vmov s8;
	[sflag:s24] =	ssyncadd.s32 $0xFFFFC000  }
.Ltmp5:
0xea: {  	(pc) =	sbr.rel .LBB2_4-.Ltmp5, $2  }
0xeb: {  	_ =	sdelay $0x2  }
0xec: {  	v4 =	vmov s18;
	s15 =	simm.s32 $0x0  }
.LBB2_8:
0xed: {  	s15 =	sadd.s32 $0x1, s15  }
0xee: {  	p2 =	sne.s32 s15, s2  }
.Ltmp6:
0xef: {  	_ = 	snop;
	(pc) =	sbr.rel @!p2 .LBB2_9-.Ltmp6, $1  }
0xf0: {  	_ =	sdelay $0x3  }
.LBB2_4:
0xf1: {  	s30 =	sshll.u32 s15, $0x4  }
0xf2: {  	v6 =	vld [tilespmem:s30+$0x280]  }
0xf3: {  	v7 =	vld [tilespmem:s30+$0x380];
	_ =	sdelay $0x4  }
0xf4: {  	vm0 =	vlt.s32 v6, v5;
	vm1 =	vgt.s32 v7, v4  }
0xf5: {  	vm0 =	vmand vm0, vm1  }
0xf6: {  	v8 =	vmpcnt.ones.xlane vm0;
	_ =	sdelay $0x1  }
0xf7: {  	(v2sf) =	vpush v8, $0x0;
	_ =	sdelay $0xe  }
0xf8: {  	s31 =	spop (v2sf)  }
0xf9: {  	p2 =	slt.s32 s31, $0x1  }
.Ltmp7:
0xfa: {  	_ = 	snop;
	(pc) =	sbr.rel @p2 .LBB2_8-.Ltmp7, $1  }
0xfb: {  	_ =	sdelay $0x3  }
0xfc: {  	v9 =	vld [tilespmem:s30+$0x180];
	_ =	sdelay $0x1  }
0xfd: {  	s30 =	simm.s32 $0x0  }
0xfe: {  	v10 =	vmov s30  }
0xff: {  	s30 =	sadd.s32 $0x0, s7;
	v11 =	vshll.u32 v10, $0xA;
	v10 =	vshll.u32 v10, $0x7  }
0x100: {  	v12 =	vmov s30;
	v8 =	vand.u32 $0x7F, v9;
	v9 =	vshll.u32 v9, $0x3  }
0x101: {  	v11 =	vand.u32 $0x2000, v11;
	v10 =	vand.u32 $0x380, v10;
	v9 =	vand.u32 $0xFFFFFC00, v9  }
0x102: {  	vm0 =	vge.s32 v12, v6;
	vm1 =	vlt.s32 v12, v7;
	v11 =	vadd.s32 v9, v11  }
0x103: {  	vm0 =	vmand vm0, vm1;
	v10 =	vor.u32 v10, v11  }
0x104: {  	s30 =	simm.s32 $0x1;
	v10 =	vor.u32 v8, v10  }
.LBB2_6:
0x105: {  	s31 =	sadd.s32 s30, s7;
	v11 =	vmov s30;
	p2 =	sne.s32 s30, $0xF;
	s30 =	sadd.s32 $0x1, s30  }
.Ltmp8:
0x106: {  	v12 =	vmov s31;
	v13 =	vshll.u32 v11, $0xA;
	(pc) =	sbr.rel @p2 .LBB2_6-.Ltmp8, $4  }
0x107: {  	v11 =	vshll.u32 v11, $0x7;
	vm1 =	vge.s32 v12, v6;
	v13 =	vand.u32 $0x2000, v13  }
0x108: {  	vm2 =	vlt.s32 v12, v7;
	v11 =	vand.u32 $0x380, v11;
	v12 =	vadd.s32 v9, v13  }
0x109: {  	v11 =	vor.u32 v11, v12;
	[tilespmem:v10+s16+$0x0] =	vst.idx.msk vm0, v3;
	vm0 =	vmand vm1, vm2  }
0x10a: {  	v10 =	vor.u32 v8, v11  }
0x10b: {  	_ = 	snop  }
.Ltmp9:
0x10c: {  	_ = 	snop;
	(pc) =	sbr.rel .LBB2_8-.Ltmp9, $2  }
0x10d: {  	_ =	sdelay $0x2  }
0x10e: {  	[tilespmem:v10+s16+$0x0] =	vst.idx.msk vm0, v3  }
.LBB2_9:
0x10f: {  	s4 =	sadd.s32 s5, s4;
	s15 =	simm.s32 @!p1 $0x9  }
0x110: {  	[hbm4b:s4+s6] =	stream.linear.scatter [tilespmem:s16], [sflag:$0x6], $0x4000, $0x38;
	[tilespmem:$0x10480] =	vst v63  }
0x111: {  	_ =	swait.ge @!p1 [sflag:s15], $0x4000  }
0x112: {  	s4 =	sshll.u32 s8, $0x7;
	[sflag:s15] =	ssyncset.done @!p1 $0x0  }
.Ltmp10:
0x113: {  	s8 =	sadd.s32 s4, s10;
	[sflag:s15] =	ssyncadd.s32 @!p1 $0xFFFFC000;
	(pc) =	sbr.rel @p0 .LBB2_16-.Ltmp10, $4  }
0x114: {  	[tilespmem:s25], [sflag:$0x5] =	stream.linear.gather [hbm4b:s8+s6], $0x4000, $0x38;
	[tilespmem:$0x10480] =	vst v63  }
0x115: {  	_ =	swait.ge [sflag:s26], $0x4000  }
0x116: {  	s15 =	sor.u32 $0x20, s18;
	[sflag:s26] =	ssyncset.done $0x0  }
0x117: {  	v4 =	vmov s15;
	[sflag:s26] =	ssyncadd.s32 $0xFFFFC000  }
.Ltmp11:
0x118: {  	(pc) =	sbr.rel .LBB2_11-.Ltmp11, $2  }
0x119: {  	_ =	sdelay $0x2  }
0x11a: {  	s8 =	simm.s32 $0x0  }
.LBB2_15:
0x11b: {  	s8 =	sadd.s32 $0x1, s8  }
0x11c: {  	p1 =	sne.s32 s8, s2  }
.Ltmp12:
0x11d: {  	_ = 	snop;
	(pc) =	sbr.rel @!p1 .LBB2_16-.Ltmp12, $1  }
0x11e: {  	_ =	sdelay $0x3  }
.LBB2_11:
0x11f: {  	s30 =	sshll.u32 s8, $0x4  }
0x120: {  	v6 =	vld [tilespmem:s30+$0x280]  }
0x121: {  	v7 =	vld [tilespmem:s30+$0x380];
	_ =	sdelay $0x4  }
0x122: {  	vm0 =	vlt.s32 v6, v4;
	vm1 =	vgt.s32 v7, v5  }
0x123: {  	vm0 =	vmand vm0, vm1  }
0x124: {  	v8 =	vmpcnt.ones.xlane vm0;
	_ =	sdelay $0x1  }
0x125: {  	(v2sf) =	vpush v8, $0x0;
	_ =	sdelay $0xe  }
0x126: {  	s31 =	spop (v2sf)  }
0x127: {  	p1 =	slt.s32 s31, $0x1  }
.Ltmp13:
0x128: {  	_ = 	snop;
	(pc) =	sbr.rel @p1 .LBB2_15-.Ltmp13, $1  }
0x129: {  	_ =	sdelay $0x3  }
0x12a: {  	v9 =	vld [tilespmem:s30+$0x180];
	_ =	sdelay $0x1  }
0x12b: {  	s30 =	simm.s32 $0x0  }
0x12c: {  	v10 =	vmov s30  }
0x12d: {  	s30 =	sadd.s32 $0x0, s12;
	v11 =	vshll.u32 v10, $0xA;
	v10 =	vshll.u32 v10, $0x7  }
0x12e: {  	v12 =	vmov s30;
	v8 =	vand.u32 $0x7F, v9;
	v9 =	vshll.u32 v9, $0x3  }
0x12f: {  	v11 =	vand.u32 $0x2000, v11;
	v10 =	vand.u32 $0x380, v10;
	v9 =	vand.u32 $0xFFFFFC00, v9  }
0x130: {  	vm0 =	vge.s32 v12, v6;
	vm1 =	vlt.s32 v12, v7;
	v11 =	vadd.s32 v9, v11  }
0x131: {  	vm0 =	vmand vm0, vm1;
	v10 =	vor.u32 v10, v11  }
0x132: {  	s30 =	simm.s32 $0x1;
	v10 =	vor.u32 v8, v10  }
.LBB2_13:
0x133: {  	s31 =	sadd.s32 s30, s12;
	v11 =	vmov s30;
	p1 =	sne.s32 s30, $0xF;
	s30 =	sadd.s32 $0x1, s30  }
.Ltmp14:
0x134: {  	v12 =	vmov s31;
	v13 =	vshll.u32 v11, $0xA;
	(pc) =	sbr.rel @p1 .LBB2_13-.Ltmp14, $4  }
0x135: {  	v11 =	vshll.u32 v11, $0x7;
	vm1 =	vge.s32 v12, v6;
	v13 =	vand.u32 $0x2000, v13  }
0x136: {  	vm2 =	vlt.s32 v12, v7;
	v11 =	vand.u32 $0x380, v11;
	v12 =	vadd.s32 v9, v13  }
0x137: {  	v11 =	vor.u32 v11, v12;
	[tilespmem:v10+s17+$0x0] =	vst.idx.msk vm0, v3;
	vm0 =	vmand vm1, vm2  }
0x138: {  	v10 =	vor.u32 v8, v11  }
0x139: {  	_ = 	snop  }
.Ltmp15:
0x13a: {  	_ = 	snop;
	(pc) =	sbr.rel .LBB2_15-.Ltmp15, $2  }
0x13b: {  	_ =	sdelay $0x2  }
0x13c: {  	[tilespmem:v10+s17+$0x0] =	vst.idx.msk vm0, v3  }
.LBB2_16:
0x13d: {  	s4 =	sadd.s32 s5, s4;
	p1 =	seq.s32 s11, $0x7  }
0x13e: {  	[hbm4b:s4+s6] =	stream.linear.scatter [tilespmem:s17], [sflag:$0x7], $0x4000, $0x38;
	[tilespmem:$0x10480] =	vst v63  }
0x13f: {  	s4 =	simm.s32 @!p1 $0x6  }
0x140: {  	_ =	swait.ge @!p1 [sflag:s4], $0x4000  }
0x141: {  	[sflag:s4] =	ssyncset.done @!p1 $0x0  }
0x142: {  	s8 =	simm.s32 @!p1 $0x0;
	[sflag:s4] =	ssyncadd.s32 @!p1 $0xFFFFC000;
	s4 =	sshll.u32 @!p1 s15, $0x7  }
.Ltmp16:
0x143: {  	s30 =	simm.s32 @!p1 $0x480;
	s4 =	sadd.s32 @!p1 s4, s10;
	(pc) =	sbr.rel @p0 .LBB2_23-.Ltmp16, $4  }
0x144: {  	[tilespmem:s30], [sflag:$0x2] =	stream.linear.gather @!p1 [hbm4b:s4+s8], $0x4000, $0x38;
	[tilespmem:$0x10480] =	vst v63  }
0x145: {  	_ =	swait.ge [sflag:s28], $0x4000  }
0x146: {  	s4 =	sor.u32 $0x30, s18;
	[sflag:s28] =	ssyncset.done $0x0  }
0x147: {  	v5 =	vmov s4;
	[sflag:s28] =	ssyncadd.s32 $0xFFFFC000  }
.Ltmp17:
0x148: {  	(pc) =	sbr.rel .LBB2_18-.Ltmp17, $2  }
0x149: {  	_ =	sdelay $0x2  }
0x14a: {  	s30 =	simm.s32 $0x0  }
.LBB2_22:
0x14b: {  	s30 =	sadd.s32 $0x1, s30  }
0x14c: {  	p2 =	sne.s32 s30, s2  }
.Ltmp18:
0x14d: {  	_ = 	snop;
	(pc) =	sbr.rel @!p2 .LBB2_23-.Ltmp18, $1  }
0x14e: {  	_ =	sdelay $0x3  }
.LBB2_18:
0x14f: {  	s31 =	sshll.u32 s30, $0x4  }
0x150: {  	v6 =	vld [tilespmem:s31+$0x280]  }
0x151: {  	v7 =	vld [tilespmem:s31+$0x380];
	_ =	sdelay $0x4  }
0x152: {  	vm0 =	vlt.s32 v6, v5;
	vm1 =	vgt.s32 v7, v4  }
0x153: {  	vm0 =	vmand vm0, vm1  }
0x154: {  	v8 =	vmpcnt.ones.xlane vm0;
	_ =	sdelay $0x1  }
0x155: {  	(v2sf) =	vpush v8, $0x0;
	_ =	sdelay $0xe  }
0x156: {  	s3 =	spop (v2sf)  }
0x157: {  	p2 =	slt.s32 s3, $0x1  }
.Ltmp19:
0x158: {  	_ = 	snop;
	(pc) =	sbr.rel @p2 .LBB2_22-.Ltmp19, $1  }
0x159: {  	_ =	sdelay $0x3  }
0x15a: {  	v9 =	vld [tilespmem:s31+$0x180];
	_ =	sdelay $0x1  }
0x15b: {  	s3 =	simm.s32 $0x0  }
0x15c: {  	v10 =	vmov s3  }
0x15d: {  	s3 =	sadd.s32 $0x0, s13;
	v11 =	vshll.u32 v10, $0xA;
	v10 =	vshll.u32 v10, $0x7  }
0x15e: {  	v12 =	vmov s3;
	v8 =	vand.u32 $0x7F, v9;
	v9 =	vshll.u32 v9, $0x3  }
0x15f: {  	v11 =	vand.u32 $0x2000, v11;
	v10 =	vand.u32 $0x380, v10;
	v9 =	vand.u32 $0xFFFFFC00, v9  }
0x160: {  	vm0 =	vge.s32 v12, v6;
	vm1 =	vlt.s32 v12, v7;
	v11 =	vadd.s32 v9, v11  }
0x161: {  	vm0 =	vmand vm0, vm1;
	v10 =	vor.u32 v10, v11  }
0x162: {  	s31 =	simm.s32 $0x1;
	v10 =	vor.u32 v8, v10  }
.LBB2_20:
0x163: {  	s3 =	sadd.s32 s31, s13;
	v11 =	vmov s31;
	p2 =	sne.s32 s31, $0xF;
	s31 =	sadd.s32 $0x1, s31  }
.Ltmp20:
0x164: {  	v12 =	vmov s3;
	v13 =	vshll.u32 v11, $0xA;
	(pc) =	sbr.rel @p2 .LBB2_20-.Ltmp20, $4  }
0x165: {  	v11 =	vshll.u32 v11, $0x7;
	vm1 =	vge.s32 v12, v6;
	v13 =	vand.u32 $0x2000, v13  }
0x166: {  	vm2 =	vlt.s32 v12, v7;
	v11 =	vand.u32 $0x380, v11;
	v12 =	vadd.s32 v9, v13  }
0x167: {  	v11 =	vor.u32 v11, v12;
	[tilespmem:v10+s23+$0x0] =	vst.idx.msk vm0, v3;
	vm0 =	vmand vm1, vm2  }
0x168: {  	v10 =	vor.u32 v8, v11  }
0x169: {  	_ = 	snop  }
.Ltmp21:
0x16a: {  	_ = 	snop;
	(pc) =	sbr.rel .LBB2_22-.Ltmp21, $2  }
0x16b: {  	_ =	sdelay $0x2  }
0x16c: {  	[tilespmem:v10+s23+$0x0] =	vst.idx.msk vm0, v3  }
.LBB2_23:
0x16d: {  	s3 =	sshll.u32 s15, $0x7  }
0x16e: {  	s3 =	sadd.s32 s5, s3  }
0x16f: {  	[hbm4b:s3+s6] =	stream.linear.scatter [tilespmem:s23], [sflag:$0x8], $0x4000, $0x38;
	[tilespmem:$0x10480] =	vst v63  }
0x170: {  	s3 =	simm.s32 @!p1 $0x7  }
0x171: {  	_ =	swait.ge @!p1 [sflag:s3], $0x4000  }
0x172: {  	[sflag:s3] =	ssyncset.done @!p1 $0x0  }
0x173: {  	s15 =	sshll.u32 @!p1 s4, $0x7;
	[sflag:s3] =	ssyncadd.s32 @!p1 $0xFFFFC000  }
.Ltmp22:
0x174: {  	s3 =	sadd.s32 @!p1 s15, s10;
	s15 =	simm.s32 @!p1 $0x4480;
	(pc) =	sbr.rel @p0 .LBB2_30-.Ltmp22, $4  }
0x175: {  	[tilespmem:s15], [sflag:$0x3] =	stream.linear.gather @!p1 [hbm4b:s3+s8], $0x4000, $0x38;
	[tilespmem:$0x10480] =	vst v63  }
0x176: {  	_ =	swait.ge [sflag:s29], $0x4000  }
0x177: {  	[sflag:s29] =	ssyncset.done $0x0  }
0x178: {  	[sflag:s29] =	ssyncadd.s32 $0xFFFFC000  }
.Ltmp23:
0x179: {  	(pc) =	sbr.rel .LBB2_25-.Ltmp23, $3  }
0x17a: {  	_ =	sdelay $0x1  }
0x17b: {  	s3 =	sadd.s32 $0x40, s18  }
0x17c: {  	s8 =	simm.s32 $0x0;
	v4 =	vmov s3  }
.LBB2_29:
0x17d: {  	s8 =	sadd.s32 $0x1, s8  }
0x17e: {  	p1 =	sne.s32 s8, s2  }
.Ltmp24:
0x17f: {  	_ = 	snop;
	(pc) =	sbr.rel @!p1 .LBB2_30-.Ltmp24, $1  }
0x180: {  	_ =	sdelay $0x3  }
.LBB2_25:
0x181: {  	s15 =	sshll.u32 s8, $0x4  }
0x182: {  	v6 =	vld [tilespmem:s15+$0x280]  }
0x183: {  	v7 =	vld [tilespmem:s15+$0x380];
	_ =	sdelay $0x4  }
0x184: {  	vm0 =	vlt.s32 v6, v4;
	vm1 =	vgt.s32 v7, v5  }
0x185: {  	vm0 =	vmand vm0, vm1  }
0x186: {  	v8 =	vmpcnt.ones.xlane vm0;
	_ =	sdelay $0x1  }
0x187: {  	(v2sf) =	vpush v8, $0x0;
	_ =	sdelay $0xe  }
0x188: {  	s3 =	spop (v2sf)  }
0x189: {  	p1 =	slt.s32 s3, $0x1  }
.Ltmp25:
0x18a: {  	_ = 	snop;
	(pc) =	sbr.rel @p1 .LBB2_29-.Ltmp25, $1  }
0x18b: {  	_ =	sdelay $0x3  }
0x18c: {  	v9 =	vld [tilespmem:s15+$0x180];
	_ =	sdelay $0x1  }
0x18d: {  	s3 =	simm.s32 $0x0  }
0x18e: {  	s31 =	sadd.s32 $0x0, s14;
	v10 =	vmov s3  }
0x18f: {  	v12 =	vmov s31;
	v11 =	vshll.u32 v10, $0xA  }
0x190: {  	v10 =	vshll.u32 v10, $0x7;
	v8 =	vand.u32 $0x7F, v9;
	v9 =	vshll.u32 v9, $0x3  }
0x191: {  	vm0 =	vge.s32 v12, v6;
	v11 =	vand.u32 $0x2000, v11;
	v9 =	vand.u32 $0xFFFFFC00, v9  }
0x192: {  	vm1 =	vlt.s32 v12, v7;
	v10 =	vand.u32 $0x380, v10;
	v11 =	vadd.s32 v9, v11  }
0x193: {  	vm0 =	vmand vm0, vm1;
	v10 =	vor.u32 v10, v11  }
0x194: {  	s15 =	simm.s32 $0x1;
	v10 =	vor.u32 v8, v10  }
.LBB2_27:
0x195: {  	s3 =	sadd.s32 s15, s14;
	v11 =	vmov s15;
	p1 =	sne.s32 s15, $0xF;
	s15 =	sadd.s32 $0x1, s15  }
.Ltmp26:
0x196: {  	v12 =	vmov s3;
	v13 =	vshll.u32 v11, $0xA;
	(pc) =	sbr.rel @p1 .LBB2_27-.Ltmp26, $4  }
0x197: {  	v11 =	vshll.u32 v11, $0x7;
	vm1 =	vge.s32 v12, v6;
	v13 =	vand.u32 $0x2000, v13  }
0x198: {  	vm2 =	vlt.s32 v12, v7;
	v11 =	vand.u32 $0x380, v11;
	v12 =	vadd.s32 v9, v13  }
0x199: {  	v11 =	vor.u32 v11, v12;
	[tilespmem:v10+s25+$0x0] =	vst.idx.msk vm0, v3;
	vm0 =	vmand vm1, vm2  }
0x19a: {  	v10 =	vor.u32 v8, v11  }
0x19b: {  	_ = 	snop  }
.Ltmp27:
0x19c: {  	_ = 	snop;
	(pc) =	sbr.rel .LBB2_29-.Ltmp27, $2  }
0x19d: {  	_ =	sdelay $0x2  }
0x19e: {  	[tilespmem:v10+s25+$0x0] =	vst.idx.msk vm0, v3  }
.LBB2_32:
0x19f: {  	_ =	sfence.sel $0x180000  }
0x1a0: {  	[bflag:$0x0] =	sbarrier.arrive $0xFFFF  }
0x1a1: {  	_ =	strace $0x90000047  }
0x1a2: {  	s0 =	stileid.u32;
	[bflag:$0x2] =	sbarrier.arrive $0xFFFF  }
0x1a3: {  	p0 =	sne.s32 s0, $0x0;
	s0 =	rddreg [dreg:$0x5]  }
0x1a4: {  	s0 =	sadd.s32 @!p0 $0x100000, s0  }
0x1a5: {  	[sflag:s0] =	ssyncadd.tile.s32 @!p0 $0x1;
	_ =	shalt  }
.Lfunc_end2:
_tile_overlayer_lowered:
.L_overlay_start_2:
0x1a6: {  	(tag) =	ssettag $0x2  }
0x1a7: {  	s0 =	rddreg [dreg:$0x0];
	s2 =	stileid.u32  }
0x1a8: {  	s1 =	rddreg [dreg:$0x1];
	p0 =	sne.s32 s2, $0x0  }
0x1a9: {  	s3 =	rddreg [dreg:$0x2];
	[bflag:$0x3] =	sbarrier.arrive $0xFFFF;
	s2 =	simm.s32 @!p0 $0x1C0A  }
0x1aa: {  	[timem:s3], [sflag:s2] =	dma.local @!p0 [hbm:s0], s1  }
0x1ab: {  	s0 =	simm.s32 @!p0 $0xA  }
0x1ac: {  	_ =	swait.ge @!p0 [sflag:s0], s1  }
0x1ad: {  	s1 =	ssub.s32 @!p0 $0x0, s1;
	[sflag:s0] =	ssyncset.done @!p0 $0x0  }
0x1ae: {  	[sflag:s0] =	ssyncadd.s32 @!p0 s1  }
0x1af: {  	[bflag:$0x3] =	sbarrier.arrive $0xFFFF  }
0x1b0: {  	_ =	shalt  }

</sc_bundles>
